<compile_context>
chip_gen: v7x
topology: tpu7x:2x2x1
jax: 0.10.2.dev20260603
libtpu: 0.0.44.dev20260713+nightly
codegen_flags: <defaults>
</compile_context>

<pallas_src>
import jax
import jax.numpy as jnp
from jax import lax
from jax.experimental import pallas as pl
from jax.experimental.pallas import tpu as pltpu
from jax.experimental.pallas import tpu_sc as plsc

N = 10000
E = 320000
D = 128
L = 16
NC = 2
NS = 16
NW = NC * NS
EPW = E // NW
B = 80
CHUNKS = EPW // B
NBUF = 2
N_PAD = 10240
ROWS_PT = N_PAD // NS


def _sc_edge_kernel(x_hbm, src_hbm, dst_hbm, ew_hbm, out_hbm,
                    src_i, dst_i, ewb, xb, agg,
                    gs, es, ss, isrc, idst):
    cid = lax.axis_index("c")
    sid = lax.axis_index("s")
    wid = cid * NS + sid
    ebase = wid * EPW

    zero = jnp.zeros((L,), jnp.float32)

    def zrow(r, _):
        for j in range(D // L):
            ewb[0][r, pl.ds(j * L, L)] = zero
        return 0

    lax.fori_loop(0, B, zrow, 0)
    for k in range(ROWS_PT // B):
        pltpu.sync_copy(ewb[0], agg.at[pl.ds(sid * ROWS_PT + k * B, B)])
    plsc.subcore_barrier()

    def issue_src(c, p):
        pltpu.async_copy(src_hbm.at[pl.ds(ebase + c * B, B)], src_i[p], isrc[p])

    def issue_dst(c, p):
        pltpu.async_copy(dst_hbm.at[pl.ds(ebase + c * B, B)], dst_i[p], idst[p])

    def issue_gather(p):
        pltpu.async_copy(x_hbm.at[src_i[p]], xb[p], gs[p])

    def issue_ew(c, p):
        pltpu.async_copy(ew_hbm.at[pl.ds(ebase + c * B, B)], ewb[p], es[p])

    def wait_src(p):
        pltpu.make_async_copy(src_hbm.at[pl.ds(ebase, B)], src_i[p],
                              isrc[p]).wait()

    def wait_dst(p):
        pltpu.make_async_copy(dst_hbm.at[pl.ds(ebase, B)], dst_i[p],
                              idst[p]).wait()

    def wait_gather_ew(p):
        pltpu.make_async_copy(x_hbm.at[src_i[p]], xb[p], gs[p]).wait()
        pltpu.make_async_copy(ew_hbm.at[pl.ds(ebase, B)], ewb[p], es[p]).wait()

    def wait_scatter(p):
        pltpu.make_async_copy(ewb[p], agg.at[dst_i[p]], ss[p]).wait()

    issue_src(0, 0)
    issue_src(1, 1)
    issue_dst(0, 0)
    wait_src(0)
    issue_gather(0)
    issue_ew(0, 0)

    def step(c, t, p):
        q = 1 - p
        c1 = jnp.minimum(c + 1, CHUNKS - 1)
        c2 = jnp.minimum(c + 2, CHUNKS - 1)
        wait_src(q)
        issue_gather(q)
        if t is None:
            wait_scatter(q)
        else:
            @pl.when(t > 0)
            def _():
                wait_scatter(q)
        issue_dst(c1, q)
        issue_ew(c1, q)
        wait_gather_ew(p)
        issue_src(c2, p)
        wait_dst(p)

        @plsc.parallel_loop(0, B, unroll=4)
        def _(r):
            for g in range(D // (2 * L)):
                xv = xb[p][r, pl.ds(L * g, L)]
                a = lax.bitcast_convert_type(xv << 16, jnp.float32)
                b = lax.bitcast_convert_type(xv & jnp.int32(-65536), jnp.float32)
                s0 = pl.ds(2 * L * g, L)
                s1 = pl.ds(2 * L * g + L, L)
                ewb[p][r, s0] = jnp.maximum(ewb[p][r, s0] + a, 0.0)
                ewb[p][r, s1] = jnp.maximum(ewb[p][r, s1] + b, 0.0)

        pltpu.async_copy(ewb[p], agg.at[dst_i[p]], ss[p], add=True)

    def pair(t, _):
        step(2 * t, t, 0)
        step(2 * t + 1, None, 1)
        return 0

    lax.fori_loop(0, CHUNKS // 2, pair, 0)
    step(jnp.int32(CHUNKS - 1), None, 0)

    wait_scatter(0)
    wait_gather_ew(1)
    wait_src(0)
    wait_dst(1)

    plsc.subcore_barrier()
    pltpu.sync_copy(agg.at[pl.ds(sid * ROWS_PT, ROWS_PT)],
                    out_hbm.at[cid, pl.ds(sid * ROWS_PT, ROWS_PT)])


@jax.jit
def _sc_aggregate(x, src1, dst1, ew):
    mesh = plsc.VectorSubcoreMesh(core_axis_name="c", subcore_axis_name="s",
                                  num_cores=NC, num_subcores=NS)
    return pl.kernel(
        _sc_edge_kernel,
        out_type=jax.ShapeDtypeStruct((NC, N_PAD, D), jnp.float32),
        mesh=mesh,
        compiler_params=pltpu.CompilerParams(use_tc_tiling_on_sc=False),
        scratch_types=[
            [pltpu.VMEM((B,), jnp.int32)] * NBUF,
            [pltpu.VMEM((B,), jnp.int32)] * NBUF,
            [pltpu.VMEM((B, D), jnp.float32)] * NBUF,
            [pltpu.VMEM((B, D // 2), jnp.int32)] * NBUF,
            pltpu.VMEM_SHARED((N_PAD, D), jnp.float32),
            [pltpu.SemaphoreType.DMA] * NBUF,
            [pltpu.SemaphoreType.DMA] * NBUF,
            [pltpu.SemaphoreType.DMA] * NBUF,
            [pltpu.SemaphoreType.DMA] * NBUF,
            [pltpu.SemaphoreType.DMA] * NBUF,
        ],
    )(x, src1, dst1, ew)


def _tc_mlp_kernel(p0, p1, xb, eps_ref, wnn, bnn, w1, b1, w2, b2, out):
    scale = 1.0 + eps_ref[0]
    h = p0[...] + p1[...] + scale * xb[...]
    h = jnp.maximum(jnp.dot(h, wnn[...], preferred_element_type=jnp.float32)
                    + bnn[...], 0.0)
    h = jnp.maximum(jnp.dot(h, w1[...], preferred_element_type=jnp.float32)
                    + b1[...], 0.0)
    out[...] = jnp.dot(h, w2[...], preferred_element_type=jnp.float32) + b2[...]


@jax.jit
def _tc_mlp(p0, p1, x, eps, W_nn, b_nn, W1, b1, W2, b2):
    R = 2000
    return pl.pallas_call(
        _tc_mlp_kernel,
        grid=(N // R,),
        in_specs=[
            pl.BlockSpec((R, D), lambda i: (i, 0)),
            pl.BlockSpec((R, D), lambda i: (i, 0)),
            pl.BlockSpec((R, D), lambda i: (i, 0)),
            pl.BlockSpec(memory_space=pltpu.SMEM),
            pl.BlockSpec((D, D), lambda i: (0, 0)),
            pl.BlockSpec((1, D), lambda i: (0, 0)),
            pl.BlockSpec((D, D), lambda i: (0, 0)),
            pl.BlockSpec((1, D), lambda i: (0, 0)),
            pl.BlockSpec((D, 1), lambda i: (0, 0)),
            pl.BlockSpec((1, 1), lambda i: (0, 0)),
        ],
        out_specs=pl.BlockSpec((R, 1), lambda i: (i, 0)),
        out_shape=jax.ShapeDtypeStruct((N, 1), jnp.float32),
    )(p0, p1, x, eps, W_nn, b_nn, W1, b1, W2, b2)


def kernel(x, edge_index, edge_weight, eps, W_nn, b_nn, W1, b1, W2, b2):
    xi = (x.reshape(N, D // 32, 2, 16).transpose(0, 1, 3, 2)
          .reshape(N, D).astype(jnp.bfloat16))
    xi = jax.lax.bitcast_convert_type(xi.reshape(N, D // 2, 2), jnp.int32)
    partial = _sc_aggregate(xi, edge_index[0], edge_index[1], edge_weight)
    return _tc_mlp(partial[0], partial[1], x, eps,
                   W_nn, b_nn.reshape(1, D), W1, b1.reshape(1, D),
                   W2, b2.reshape(1, 1))

# --- scband reference (transcript-rebuilt; emitter-appended) ---
"""Pipeline reference for scband-net1-25142738550810 (READ-ONLY COPY).

The authoritative reference and input builder live on the scoring server;
editing this copy changes nothing except your own understanding.
"""

import jax, jax.numpy as jnp
import numpy as np

N = 10000
E = 320000
D = 128

def setup_inputs(seed: int = 0) -> dict:
    key = jax.random.key(seed)
    ks = jax.random.split(key, 10)
    x = jax.random.normal(ks[0], (N, D), dtype=jnp.float32)
    edge_index = jax.random.randint(ks[1], (2, E), 0, N, dtype=jnp.int32)
    edge_weight = jax.random.normal(ks[2], (E, D), dtype=jnp.float32)
    # learned parameters
    eps = jnp.zeros((1,), dtype=jnp.float32)  # train_eps=True, init 0.0
    s = 1.0 / np.sqrt(D)
    W_nn = jax.random.uniform(ks[3], (D, D), jnp.float32, -s, s)
    b_nn = jax.random.uniform(ks[4], (D,), jnp.float32, -s, s)
    W1 = jax.random.uniform(ks[5], (D, D), jnp.float32, -s, s)
    b1 = jax.random.uniform(ks[6], (D,), jnp.float32, -s, s)
    W2 = jax.random.uniform(ks[7], (D, 1), jnp.float32, -s, s)
    b2 = jax.random.uniform(ks[8], (1,), jnp.float32, -s, s)
    return {"x": x, "edge_index": edge_index, "edge_weight": edge_weight,
            "eps": eps, "W_nn": W_nn, "b_nn": b_nn,
            "W1": W1, "b1": b1, "W2": W2, "b2": b2}

def reference(x, edge_index, edge_weight, eps, W_nn, b_nn, W1, b1, W2, b2):
    src = edge_index[0]
    dst = edge_index[1]
    # GINEConv.message: (x_j + edge_attr).relu()  (lin is None since edge_dim=None)
    msg = jax.nn.relu(x[src] + edge_weight)
    # aggr='add': scatter-add messages to destination nodes
    agg = jnp.zeros((x.shape[0], msg.shape[1]), dtype=msg.dtype).at[dst].add(msg)
    # out += (1 + eps) * x_r
    out = agg + (1.0 + eps) * x
    # self.nn = Seq(Lin(num_features, dim))
    out = out @ W_nn + b_nn
    # conv output .relu()
    h = jax.nn.relu(out)
    # lin1 + relu
    h = jax.nn.relu(h @ W1 + b1)
    # lin2
    return h @ W2 + b2

if __name__ == "__main__":
    import jax
    _d = setup_inputs()
    print(jax.jit(kernel)(*tuple(_d.values())))

</pallas_src>

<mosaic_0001>
#map = affine_map<(d0, d1) -> (0, 0)>
#map1 = affine_map<(d0, d1) -> (0)>
#map2 = affine_map<(d0, d1) -> (0, 0, 0)>
module attributes {stable_mosaic.version = 14 : i64} {
  func.func @_sc_edge_kernel(%arg0: i32, %arg1: i32, %arg2: memref<10000x64xi32, #tpu.memory_space<hbm>>, %arg3: memref<320000xi32, #tpu.memory_space<hbm>>, %arg4: memref<320000xi32, #tpu.memory_space<hbm>>, %arg5: memref<320000x128xf32, #tpu.memory_space<hbm>>, %arg6: memref<2x10240x128xf32, #tpu.memory_space<hbm>>, %arg7: memref<80xi32, #tpu.memory_space<vmem>>, %arg8: memref<80xi32, #tpu.memory_space<vmem>>, %arg9: memref<80xi32, #tpu.memory_space<vmem>>, %arg10: memref<80xi32, #tpu.memory_space<vmem>>, %arg11: memref<80x128xf32, #tpu.memory_space<vmem>>, %arg12: memref<80x128xf32, #tpu.memory_space<vmem>>, %arg13: memref<80x64xi32, #tpu.memory_space<vmem>>, %arg14: memref<80x64xi32, #tpu.memory_space<vmem>>, %arg15: memref<10240x128xf32, #tpu.memory_space<vmem_shared>>, %arg16: memref<!tpu.dma_semaphore, #tpu.memory_space<semaphore_mem>>, %arg17: memref<!tpu.dma_semaphore, #tpu.memory_space<semaphore_mem>>, %arg18: memref<!tpu.dma_semaphore, #tpu.memory_space<semaphore_mem>>, %arg19: memref<!tpu.dma_semaphore, #tpu.memory_space<semaphore_mem>>, %arg20: memref<!tpu.dma_semaphore, #tpu.memory_space<semaphore_mem>>, %arg21: memref<!tpu.dma_semaphore, #tpu.memory_space<semaphore_mem>>, %arg22: memref<!tpu.dma_semaphore, #tpu.memory_space<semaphore_mem>>, %arg23: memref<!tpu.dma_semaphore, #tpu.memory_space<semaphore_mem>>, %arg24: memref<!tpu.dma_semaphore, #tpu.memory_space<semaphore_mem>>, %arg25: memref<!tpu.dma_semaphore, #tpu.memory_space<semaphore_mem>>) attributes {dimension_semantics = [#tpu.dimension_semantics<core_parallel>, #tpu.dimension_semantics<subcore_parallel>], iteration_bounds = array<i64: 2, 16>, scalar_prefetch = 0 : i64, scratch_operands = 19 : i64, tpu.core_type = #tpu.core_type<sc_vector_subcore>, window_params = [{transform_indices = #map}, {transform_indices = #map1}, {transform_indices = #map1}, {transform_indices = #map}, {transform_indices = #map2}]} {
    %mul3A = arith.constant 16 : i32
    %mul3A_0 = arith.muli %arg0, %mul3A : i32
    %add3A = arith.addi %mul3A_0, %arg1 : i32
    %mul3A_1 = arith.constant 10000 : i32
    %mul3A_2 = arith.muli %add3A, %mul3A_1 : i32
    %broadcast_in_dim3A = arith.constant 0.000000e+00 : f32
    %broadcast_in_dim3A_3 = vector.broadcast %broadcast_in_dim3A : f32 to vector<16xf32>
    %scan3A = arith.constant 0 : i32
    %scan3A_4 = arith.constant 0 : i32
    %scan3A_5 = arith.constant 80 : i32
    %scan3A_6 = arith.addi %scan3A_4, %scan3A_5 : i32
    %scan3A_7 = arith.constant 1 : i32
    %scan3A_8 = scf.for %scan3A_137 = %scan3A_4 to %scan3A_6 step %scan3A_7 iter_args(%scan3A_138 = %scan3A) -> (i32)  : i32 {
      %swap3A = arith.index_cast %scan3A_137 : i32 to index
      %swap3A_139 = arith.constant 0 : index
      %swap3A_140 = tpu.vector_load %arg11[%swap3A, %swap3A_139] {strides = array<i32>} : memref<80x128xf32, #tpu.memory_space<vmem>>, vector<1x16xf32>,
      %swap3A_141 = vector.shape_cast %swap3A_140 : vector<1x16xf32> to vector<16xf32>
      %swap3A_142 = vector.shape_cast %broadcast_in_dim3A_3 : vector<16xf32> to vector<1x16xf32>
      tpu.vector_store %arg11[%swap3A, %swap3A_139], %swap3A_142 {strides = array<i32>} : memref<80x128xf32, #tpu.memory_space<vmem>>, vector<1x16xf32>,
      %swap3A_143 = arith.index_cast %scan3A_137 : i32 to index
      %swap3A_144 = arith.constant 16 : index
      %swap3A_145 = tpu.vector_load %arg11[%swap3A_143, %swap3A_144] {strides = array<i32>} : memref<80x128xf32, #tpu.memory_space<vmem>>, vector<1x16xf32>,
      %swap3A_146 = vector.shape_cast %swap3A_145 : vector<1x16xf32> to vector<16xf32>
      %swap3A_147 = vector.shape_cast %broadcast_in_dim3A_3 : vector<16xf32> to vector<1x16xf32>
      tpu.vector_store %arg11[%swap3A_143, %swap3A_144], %swap3A_147 {strides = array<i32>} : memref<80x128xf32, #tpu.memory_space<vmem>>, vector<1x16xf32>,
      %swap3A_148 = arith.index_cast %scan3A_137 : i32 to index
      %swap3A_149 = arith.constant 32 : index
      %swap3A_150 = tpu.vector_load %arg11[%swap3A_148, %swap3A_149] {strides = array<i32>} : memref<80x128xf32, #tpu.memory_space<vmem>>, vector<1x16xf32>,
      %swap3A_151 = vector.shape_cast %swap3A_150 : vector<1x16xf32> to vector<16xf32>
      %swap3A_152 = vector.shape_cast %broadcast_in_dim3A_3 : vector<16xf32> to vector<1x16xf32>
      tpu.vector_store %arg11[%swap3A_148, %swap3A_149], %swap3A_152 {strides = array<i32>} : memref<80x128xf32, #tpu.memory_space<vmem>>, vector<1x16xf32>,
      %swap3A_153 = arith.index_cast %scan3A_137 : i32 to index
      %swap3A_154 = arith.constant 48 : index
      %swap3A_155 = tpu.vector_load %arg11[%swap3A_153, %swap3A_154] {strides = array<i32>} : memref<80x128xf32, #tpu.memory_space<vmem>>, vector<1x16xf32>,
      %swap3A_156 = vector.shape_cast %swap3A_155 : vector<1x16xf32> to vector<16xf32>
      %swap3A_157 = vector.shape_cast %broadcast_in_dim3A_3 : vector<16xf32> to vector<1x16xf32>
      tpu.vector_store %arg11[%swap3A_153, %swap3A_154], %swap3A_157 {strides = array<i32>} : memref<80x128xf32, #tpu.memory_space<vmem>>, vector<1x16xf32>,
      %swap3A_158 = arith.index_cast %scan3A_137 : i32 to index
      %swap3A_159 = arith.constant 64 : index
      %swap3A_160 = tpu.vector_load %arg11[%swap3A_158, %swap3A_159] {strides = array<i32>} : memref<80x128xf32, #tpu.memory_space<vmem>>, vector<1x16xf32>,
      %swap3A_161 = vector.shape_cast %swap3A_160 : vector<1x16xf32> to vector<16xf32>
      %swap3A_162 = vector.shape_cast %broadcast_in_dim3A_3 : vector<16xf32> to vector<1x16xf32>
      tpu.vector_store %arg11[%swap3A_158, %swap3A_159], %swap3A_162 {strides = array<i32>} : memref<80x128xf32, #tpu.memory_space<vmem>>, vector<1x16xf32>,
      %swap3A_163 = arith.index_cast %scan3A_137 : i32 to index
      %swap3A_164 = arith.constant 80 : index
      %swap3A_165 = tpu.vector_load %arg11[%swap3A_163, %swap3A_164] {strides = array<i32>} : memref<80x128xf32, #tpu.memory_space<vmem>>, vector<1x16xf32>,
      %swap3A_166 = vector.shape_cast %swap3A_165 : vector<1x16xf32> to vector<16xf32>
      %swap3A_167 = vector.shape_cast %broadcast_in_dim3A_3 : vector<16xf32> to vector<1x16xf32>
      tpu.vector_store %arg11[%swap3A_163, %swap3A_164], %swap3A_167 {strides = array<i32>} : memref<80x128xf32, #tpu.memory_space<vmem>>, vector<1x16xf32>,
      %swap3A_168 = arith.index_cast %scan3A_137 : i32 to index
      %swap3A_169 = arith.constant 96 : index
      %swap3A_170 = tpu.vector_load %arg11[%swap3A_168, %swap3A_169] {strides = array<i32>} : memref<80x128xf32, #tpu.memory_space<vmem>>, vector<1x16xf32>,
      %swap3A_171 = vector.shape_cast %swap3A_170 : vector<1x16xf32> to vector<16xf32>
      %swap3A_172 = vector.shape_cast %broadcast_in_dim3A_3 : vector<16xf32> to vector<1x16xf32>
      tpu.vector_store %arg11[%swap3A_168, %swap3A_169], %swap3A_172 {strides = array<i32>} : memref<80x128xf32, #tpu.memory_space<vmem>>, vector<1x16xf32>,
      %swap3A_173 = arith.index_cast %scan3A_137 : i32 to index
      %swap3A_174 = arith.constant 112 : index
      %swap3A_175 = tpu.vector_load %arg11[%swap3A_173, %swap3A_174] {strides = array<i32>} : memref<80x128xf32, #tpu.memory_space<vmem>>, vector<1x16xf32>,
      %swap3A_176 = vector.shape_cast %swap3A_175 : vector<1x16xf32> to vector<16xf32>
      %swap3A_177 = vector.shape_cast %broadcast_in_dim3A_3 : vector<16xf32> to vector<1x16xf32>
      tpu.vector_store %arg11[%swap3A_173, %swap3A_174], %swap3A_177 {strides = array<i32>} : memref<80x128xf32, #tpu.memory_space<vmem>>, vector<1x16xf32>,
      %scan3A_178 = arith.constant 0 : i32
      scf.yield %scan3A_178 : i32
    }
    %scan3A_9 = arith.constant 80 : i32
    %mul3A_10 = arith.constant 640 : i32
    %mul3A_11 = arith.muli %arg1, %mul3A_10 : i32
    %add3A_12 = arith.constant 0 : i32
    %add3A_13 = arith.addi %mul3A_11, %add3A_12 : i32
    "tpu.region"() ({
      %run_scoped3A = tpu.sem_alloc : memref<!tpu.dma_semaphore, #tpu.memory_space<semaphore_mem>>
      %dma_start3A_137 = arith.constant 0 : i32
      %dma_start3A_138 = tpu.memref_slice %arg15[%add3A_13, %dma_start3A_137] : memref<10240x128xf32, #tpu.memory_space<vmem_shared>> -> memref<80x128xf32, #tpu.memory_space<vmem_shared>>
      %dma_start3A_139 = arith.constant 0 : i32
      %dma_start3A_140 = tpu.memref_slice %arg15[%add3A_13, %dma_start3A_139] : memref<10240x128xf32, #tpu.memory_space<vmem_shared>> -> memref<80x128xf32, #tpu.memory_space<vmem_shared>>
      tpu.enqueue_dma source(%arg11 : memref<80x128xf32, #tpu.memory_space<vmem>>) target(%dma_start3A_140 : memref<80x128xf32, #tpu.memory_space<vmem_shared>>) target_semaphore(%run_scoped3A : memref<!tpu.dma_semaphore, #tpu.memory_space<semaphore_mem>>)
      %dma_wait3A_141 = arith.constant 0 : i32
      %dma_wait3A_142 = tpu.memref_slice %arg15[%add3A_13, %dma_wait3A_141] : memref<10240x128xf32, #tpu.memory_space<vmem_shared>> -> memref<80x128xf32, #tpu.memory_space<vmem_shared>>
      %dma_wait3A_143 = arith.constant 0 : i32
      %dma_wait3A_144 = tpu.memref_slice %arg15[%add3A_13, %dma_wait3A_143] : memref<10240x128xf32, #tpu.memory_space<vmem_shared>> -> memref<80x128xf32, #tpu.memory_space<vmem_shared>>
      tpu.wait_dma2 semaphore(%run_scoped3A : memref<!tpu.dma_semaphore, #tpu.memory_space<semaphore_mem>>) src(%arg11 : memref<80x128xf32, #tpu.memory_space<vmem>>) dst(%dma_wait3A_144 : memref<80x128xf32, #tpu.memory_space<vmem_shared>>)
      tpu.yield
    }) : () -> ()
    %mul3A_14 = arith.constant 640 : i32
    %mul3A_15 = arith.muli %arg1, %mul3A_14 : i32
    %add3A_16 = arith.constant 80 : i32
    %add3A_17 = arith.addi %mul3A_15, %add3A_16 : i32
    "tpu.region"() ({
      %run_scoped3A = tpu.sem_alloc : memref<!tpu.dma_semaphore, #tpu.memory_space<semaphore_mem>>
      %dma_start3A_137 = arith.constant 0 : i32
      %dma_start3A_138 = tpu.memref_slice %arg15[%add3A_17, %dma_start3A_137] : memref<10240x128xf32, #tpu.memory_space<vmem_shared>> -> memref<80x128xf32, #tpu.memory_space<vmem_shared>>
      %dma_start3A_139 = arith.constant 0 : i32
      %dma_start3A_140 = tpu.memref_slice %arg15[%add3A_17, %dma_start3A_139] : memref<10240x128xf32, #tpu.memory_space<vmem_shared>> -> memref<80x128xf32, #tpu.memory_space<vmem_shared>>
      tpu.enqueue_dma source(%arg11 : memref<80x128xf32, #tpu.memory_space<vmem>>) target(%dma_start3A_140 : memref<80x128xf32, #tpu.memory_space<vmem_shared>>) target_semaphore(%run_scoped3A : memref<!tpu.dma_semaphore, #tpu.memory_space<semaphore_mem>>)
      %dma_wait3A_141 = arith.constant 0 : i32
      %dma_wait3A_142 = tpu.memref_slice %arg15[%add3A_17, %dma_wait3A_141] : memref<10240x128xf32, #tpu.memory_space<vmem_shared>> -> memref<80x128xf32, #tpu.memory_space<vmem_shared>>
      %dma_wait3A_143 = arith.constant 0 : i32
      %dma_wait3A_144 = tpu.memref_slice %arg15[%add3A_17, %dma_wait3A_143] : memref<10240x128xf32, #tpu.memory_space<vmem_shared>> -> memref<80x128xf32, #tpu.memory_space<vmem_shared>>
      tpu.wait_dma2 semaphore(%run_scoped3A : memref<!tpu.dma_semaphore, #tpu.memory_space<semaphore_mem>>) src(%arg11 : memref<80x128xf32, #tpu.memory_space<vmem>>) dst(%dma_wait3A_144 : memref<80x128xf32, #tpu.memory_space<vmem_shared>>)
      tpu.yield
    }) : () -> ()
    %mul3A_18 = arith.constant 640 : i32
    %mul3A_19 = arith.muli %arg1, %mul3A_18 : i32
    %add3A_20 = arith.constant 160 : i32
    %add3A_21 = arith.addi %mul3A_19, %add3A_20 : i32
    "tpu.region"() ({
      %run_scoped3A = tpu.sem_alloc : memref<!tpu.dma_semaphore, #tpu.memory_space<semaphore_mem>>
      %dma_start3A_137 = arith.constant 0 : i32
      %dma_start3A_138 = tpu.memref_slice %arg15[%add3A_21, %dma_start3A_137] : memref<10240x128xf32, #tpu.memory_space<vmem_shared>> -> memref<80x128xf32, #tpu.memory_space<vmem_shared>>
      %dma_start3A_139 = arith.constant 0 : i32
      %dma_start3A_140 = tpu.memref_slice %arg15[%add3A_21, %dma_start3A_139] : memref<10240x128xf32, #tpu.memory_space<vmem_shared>> -> memref<80x128xf32, #tpu.memory_space<vmem_shared>>
      tpu.enqueue_dma source(%arg11 : memref<80x128xf32, #tpu.memory_space<vmem>>) target(%dma_start3A_140 : memref<80x128xf32, #tpu.memory_space<vmem_shared>>) target_semaphore(%run_scoped3A : memref<!tpu.dma_semaphore, #tpu.memory_space<semaphore_mem>>)
      %dma_wait3A_141 = arith.constant 0 : i32
      %dma_wait3A_142 = tpu.memref_slice %arg15[%add3A_21, %dma_wait3A_141] : memref<10240x128xf32, #tpu.memory_space<vmem_shared>> -> memref<80x128xf32, #tpu.memory_space<vmem_shared>>
      %dma_wait3A_143 = arith.constant 0 : i32
      %dma_wait3A_144 = tpu.memref_slice %arg15[%add3A_21, %dma_wait3A_143] : memref<10240x128xf32, #tpu.memory_space<vmem_shared>> -> memref<80x128xf32, #tpu.memory_space<vmem_shared>>
      tpu.wait_dma2 semaphore(%run_scoped3A : memref<!tpu.dma_semaphore, #tpu.memory_space<semaphore_mem>>) src(%arg11 : memref<80x128xf32, #tpu.memory_space<vmem>>) dst(%dma_wait3A_144 : memref<80x128xf32, #tpu.memory_space<vmem_shared>>)
      tpu.yield
    }) : () -> ()
    %mul3A_22 = arith.constant 640 : i32
    %mul3A_23 = arith.muli %arg1, %mul3A_22 : i32
    %add3A_24 = arith.constant 240 : i32
    %add3A_25 = arith.addi %mul3A_23, %add3A_24 : i32
    "tpu.region"() ({
      %run_scoped3A = tpu.sem_alloc : memref<!tpu.dma_semaphore, #tpu.memory_space<semaphore_mem>>
      %dma_start3A_137 = arith.constant 0 : i32
      %dma_start3A_138 = tpu.memref_slice %arg15[%add3A_25, %dma_start3A_137] : memref<10240x128xf32, #tpu.memory_space<vmem_shared>> -> memref<80x128xf32, #tpu.memory_space<vmem_shared>>
      %dma_start3A_139 = arith.constant 0 : i32
      %dma_start3A_140 = tpu.memref_slice %arg15[%add3A_25, %dma_start3A_139] : memref<10240x128xf32, #tpu.memory_space<vmem_shared>> -> memref<80x128xf32, #tpu.memory_space<vmem_shared>>
      tpu.enqueue_dma source(%arg11 : memref<80x128xf32, #tpu.memory_space<vmem>>) target(%dma_start3A_140 : memref<80x128xf32, #tpu.memory_space<vmem_shared>>) target_semaphore(%run_scoped3A : memref<!tpu.dma_semaphore, #tpu.memory_space<semaphore_mem>>)
      %dma_wait3A_141 = arith.constant 0 : i32
      %dma_wait3A_142 = tpu.memref_slice %arg15[%add3A_25, %dma_wait3A_141] : memref<10240x128xf32, #tpu.memory_space<vmem_shared>> -> memref<80x128xf32, #tpu.memory_space<vmem_shared>>
      %dma_wait3A_143 = arith.constant 0 : i32
      %dma_wait3A_144 = tpu.memref_slice %arg15[%add3A_25, %dma_wait3A_143] : memref<10240x128xf32, #tpu.memory_space<vmem_shared>> -> memref<80x128xf32, #tpu.memory_space<vmem_shared>>
      tpu.wait_dma2 semaphore(%run_scoped3A : memref<!tpu.dma_semaphore, #tpu.memory_space<semaphore_mem>>) src(%arg11 : memref<80x128xf32, #tpu.memory_space<vmem>>) dst(%dma_wait3A_144 : memref<80x128xf32, #tpu.memory_space<vmem_shared>>)
      tpu.yield
    }) : () -> ()
    %mul3A_26 = arith.constant 640 : i32
    %mul3A_27 = arith.muli %arg1, %mul3A_26 : i32
    %add3A_28 = arith.constant 320 : i32
    %add3A_29 = arith.addi %mul3A_27, %add3A_28 : i32
    "tpu.region"() ({
      %run_scoped3A = tpu.sem_alloc : memref<!tpu.dma_semaphore, #tpu.memory_space<semaphore_mem>>
      %dma_start3A_137 = arith.constant 0 : i32
      %dma_start3A_138 = tpu.memref_slice %arg15[%add3A_29, %dma_start3A_137] : memref<10240x128xf32, #tpu.memory_space<vmem_shared>> -> memref<80x128xf32, #tpu.memory_space<vmem_shared>>
      %dma_start3A_139 = arith.constant 0 : i32
      %dma_start3A_140 = tpu.memref_slice %arg15[%add3A_29, %dma_start3A_139] : memref<10240x128xf32, #tpu.memory_space<vmem_shared>> -> memref<80x128xf32, #tpu.memory_space<vmem_shared>>
      tpu.enqueue_dma source(%arg11 : memref<80x128xf32, #tpu.memory_space<vmem>>) target(%dma_start3A_140 : memref<80x128xf32, #tpu.memory_space<vmem_shared>>) target_semaphore(%run_scoped3A : memref<!tpu.dma_semaphore, #tpu.memory_space<semaphore_mem>>)
      %dma_wait3A_141 = arith.constant 0 : i32
      %dma_wait3A_142 = tpu.memref_slice %arg15[%add3A_29, %dma_wait3A_141] : memref<10240x128xf32, #tpu.memory_space<vmem_shared>> -> memref<80x128xf32, #tpu.memory_space<vmem_shared>>
      %dma_wait3A_143 = arith.constant 0 : i32
      %dma_wait3A_144 = tpu.memref_slice %arg15[%add3A_29, %dma_wait3A_143] : memref<10240x128xf32, #tpu.memory_space<vmem_shared>> -> memref<80x128xf32, #tpu.memory_space<vmem_shared>>
      tpu.wait_dma2 semaphore(%run_scoped3A : memref<!tpu.dma_semaphore, #tpu.memory_space<semaphore_mem>>) src(%arg11 : memref<80x128xf32, #tpu.memory_space<vmem>>) dst(%dma_wait3A_144 : memref<80x128xf32, #tpu.memory_space<vmem_shared>>)
      tpu.yield
    }) : () -> ()
    %mul3A_30 = arith.constant 640 : i32
    %mul3A_31 = arith.muli %arg1, %mul3A_30 : i32
    %add3A_32 = arith.constant 400 : i32
    %add3A_33 = arith.addi %mul3A_31, %add3A_32 : i32
    "tpu.region"() ({
      %run_scoped3A = tpu.sem_alloc : memref<!tpu.dma_semaphore, #tpu.memory_space<semaphore_mem>>
      %dma_start3A_137 = arith.constant 0 : i32
      %dma_start3A_138 = tpu.memref_slice %arg15[%add3A_33, %dma_start3A_137] : memref<10240x128xf32, #tpu.memory_space<vmem_shared>> -> memref<80x128xf32, #tpu.memory_space<vmem_shared>>
      %dma_start3A_139 = arith.constant 0 : i32
      %dma_start3A_140 = tpu.memref_slice %arg15[%add3A_33, %dma_start3A_139] : memref<10240x128xf32, #tpu.memory_space<vmem_shared>> -> memref<80x128xf32, #tpu.memory_space<vmem_shared>>
      tpu.enqueue_dma source(%arg11 : memref<80x128xf32, #tpu.memory_space<vmem>>) target(%dma_start3A_140 : memref<80x128xf32, #tpu.memory_space<vmem_shared>>) target_semaphore(%run_scoped3A : memref<!tpu.dma_semaphore, #tpu.memory_space<semaphore_mem>>)
      %dma_wait3A_141 = arith.constant 0 : i32
      %dma_wait3A_142 = tpu.memref_slice %arg15[%add3A_33, %dma_wait3A_141] : memref<10240x128xf32, #tpu.memory_space<vmem_shared>> -> memref<80x128xf32, #tpu.memory_space<vmem_shared>>
      %dma_wait3A_143 = arith.constant 0 : i32
      %dma_wait3A_144 = tpu.memref_slice %arg15[%add3A_33, %dma_wait3A_143] : memref<10240x128xf32, #tpu.memory_space<vmem_shared>> -> memref<80x128xf32, #tpu.memory_space<vmem_shared>>
      tpu.wait_dma2 semaphore(%run_scoped3A : memref<!tpu.dma_semaphore, #tpu.memory_space<semaphore_mem>>) src(%arg11 : memref<80x128xf32, #tpu.memory_space<vmem>>) dst(%dma_wait3A_144 : memref<80x128xf32, #tpu.memory_space<vmem_shared>>)
      tpu.yield
    }) : () -> ()
    %mul3A_34 = arith.constant 640 : i32
    %mul3A_35 = arith.muli %arg1, %mul3A_34 : i32
    %add3A_36 = arith.constant 480 : i32
    %add3A_37 = arith.addi %mul3A_35, %add3A_36 : i32
    "tpu.region"() ({
      %run_scoped3A = tpu.sem_alloc : memref<!tpu.dma_semaphore, #tpu.memory_space<semaphore_mem>>
      %dma_start3A_137 = arith.constant 0 : i32
      %dma_start3A_138 = tpu.memref_slice %arg15[%add3A_37, %dma_start3A_137] : memref<10240x128xf32, #tpu.memory_space<vmem_shared>> -> memref<80x128xf32, #tpu.memory_space<vmem_shared>>
      %dma_start3A_139 = arith.constant 0 : i32
      %dma_start3A_140 = tpu.memref_slice %arg15[%add3A_37, %dma_start3A_139] : memref<10240x128xf32, #tpu.memory_space<vmem_shared>> -> memref<80x128xf32, #tpu.memory_space<vmem_shared>>
      tpu.enqueue_dma source(%arg11 : memref<80x128xf32, #tpu.memory_space<vmem>>) target(%dma_start3A_140 : memref<80x128xf32, #tpu.memory_space<vmem_shared>>) target_semaphore(%run_scoped3A : memref<!tpu.dma_semaphore, #tpu.memory_space<semaphore_mem>>)
      %dma_wait3A_141 = arith.constant 0 : i32
      %dma_wait3A_142 = tpu.memref_slice %arg15[%add3A_37, %dma_wait3A_141] : memref<10240x128xf32, #tpu.memory_space<vmem_shared>> -> memref<80x128xf32, #tpu.memory_space<vmem_shared>>
      %dma_wait3A_143 = arith.constant 0 : i32
      %dma_wait3A_144 = tpu.memref_slice %arg15[%add3A_37, %dma_wait3A_143] : memref<10240x128xf32, #tpu.memory_space<vmem_shared>> -> memref<80x128xf32, #tpu.memory_space<vmem_shared>>
      tpu.wait_dma2 semaphore(%run_scoped3A : memref<!tpu.dma_semaphore, #tpu.memory_space<semaphore_mem>>) src(%arg11 : memref<80x128xf32, #tpu.memory_space<vmem>>) dst(%dma_wait3A_144 : memref<80x128xf32, #tpu.memory_space<vmem_shared>>)
      tpu.yield
    }) : () -> ()
    %mul3A_38 = arith.constant 640 : i32
    %mul3A_39 = arith.muli %arg1, %mul3A_38 : i32
    %add3A_40 = arith.constant 560 : i32
    %add3A_41 = arith.addi %mul3A_39, %add3A_40 : i32
    "tpu.region"() ({
      %run_scoped3A = tpu.sem_alloc : memref<!tpu.dma_semaphore, #tpu.memory_space<semaphore_mem>>
      %dma_start3A_137 = arith.constant 0 : i32
      %dma_start3A_138 = tpu.memref_slice %arg15[%add3A_41, %dma_start3A_137] : memref<10240x128xf32, #tpu.memory_space<vmem_shared>> -> memref<80x128xf32, #tpu.memory_space<vmem_shared>>
      %dma_start3A_139 = arith.constant 0 : i32
      %dma_start3A_140 = tpu.memref_slice %arg15[%add3A_41, %dma_start3A_139] : memref<10240x128xf32, #tpu.memory_space<vmem_shared>> -> memref<80x128xf32, #tpu.memory_space<vmem_shared>>
      tpu.enqueue_dma source(%arg11 : memref<80x128xf32, #tpu.memory_space<vmem>>) target(%dma_start3A_140 : memref<80x128xf32, #tpu.memory_space<vmem_shared>>) target_semaphore(%run_scoped3A : memref<!tpu.dma_semaphore, #tpu.memory_space<semaphore_mem>>)
      %dma_wait3A_141 = arith.constant 0 : i32
      %dma_wait3A_142 = tpu.memref_slice %arg15[%add3A_41, %dma_wait3A_141] : memref<10240x128xf32, #tpu.memory_space<vmem_shared>> -> memref<80x128xf32, #tpu.memory_space<vmem_shared>>
      %dma_wait3A_143 = arith.constant 0 : i32
      %dma_wait3A_144 = tpu.memref_slice %arg15[%add3A_41, %dma_wait3A_143] : memref<10240x128xf32, #tpu.memory_space<vmem_shared>> -> memref<80x128xf32, #tpu.memory_space<vmem_shared>>
      tpu.wait_dma2 semaphore(%run_scoped3A : memref<!tpu.dma_semaphore, #tpu.memory_space<semaphore_mem>>) src(%arg11 : memref<80x128xf32, #tpu.memory_space<vmem>>) dst(%dma_wait3A_144 : memref<80x128xf32, #tpu.memory_space<vmem_shared>>)
      tpu.yield
    }) : () -> ()
    %barrier3A = arith.constant 0 : index
    tpu.barrier barrier_id(%barrier3A)
    %add3A_42 = arith.constant 0 : i32
    %add3A_43 = arith.addi %mul3A_2, %add3A_42 : i32
    %dma_start3A = tpu.memref_slice %arg3[%add3A_43] : memref<320000xi32, #tpu.memory_space<hbm>> -> memref<80xi32, #tpu.memory_space<hbm>>
    %dma_start3A_44 = tpu.memref_slice %arg3[%add3A_43] : memref<320000xi32, #tpu.memory_space<hbm>> -> memref<80xi32, #tpu.memory_space<hbm>>
    tpu.enqueue_dma source(%dma_start3A_44 : memref<80xi32, #tpu.memory_space<hbm>>) target(%arg7 : memref<80xi32, #tpu.memory_space<vmem>>) target_semaphore(%arg22 : memref<!tpu.dma_semaphore, #tpu.memory_space<semaphore_mem>>)
    %add3A_45 = arith.constant 80 : i32
    %add3A_46 = arith.addi %mul3A_2, %add3A_45 : i32
    %dma_start3A_47 = tpu.memref_slice %arg3[%add3A_46] : memref<320000xi32, #tpu.memory_space<hbm>> -> memref<80xi32, #tpu.memory_space<hbm>>
    %dma_start3A_48 = tpu.memref_slice %arg3[%add3A_46] : memref<320000xi32, #tpu.memory_space<hbm>> -> memref<80xi32, #tpu.memory_space<hbm>>
    tpu.enqueue_dma source(%dma_start3A_48 : memref<80xi32, #tpu.memory_space<hbm>>) target(%arg8 : memref<80xi32, #tpu.memory_space<vmem>>) target_semaphore(%arg23 : memref<!tpu.dma_semaphore, #tpu.memory_space<semaphore_mem>>)
    %add3A_49 = arith.constant 0 : i32
    %add3A_50 = arith.addi %mul3A_2, %add3A_49 : i32
    %dma_start3A_51 = tpu.memref_slice %arg4[%add3A_50] : memref<320000xi32, #tpu.memory_space<hbm>> -> memref<80xi32, #tpu.memory_space<hbm>>
    %dma_start3A_52 = tpu.memref_slice %arg4[%add3A_50] : memref<320000xi32, #tpu.memory_space<hbm>> -> memref<80xi32, #tpu.memory_space<hbm>>
    tpu.enqueue_dma source(%dma_start3A_52 : memref<80xi32, #tpu.memory_space<hbm>>) target(%arg9 : memref<80xi32, #tpu.memory_space<vmem>>) target_semaphore(%arg24 : memref<!tpu.dma_semaphore, #tpu.memory_space<semaphore_mem>>)
    %dma_wait3A = tpu.memref_slice %arg3[%mul3A_2] : memref<320000xi32, #tpu.memory_space<hbm>> -> memref<80xi32, #tpu.memory_space<hbm>>
    %dma_wait3A_53 = tpu.memref_slice %arg3[%mul3A_2] : memref<320000xi32, #tpu.memory_space<hbm>> -> memref<80xi32, #tpu.memory_space<hbm>>
    tpu.wait_dma2 semaphore(%arg22 : memref<!tpu.dma_semaphore, #tpu.memory_space<semaphore_mem>>) src(%dma_wait3A_53 : memref<80xi32, #tpu.memory_space<hbm>>) dst(%arg7 : memref<80xi32, #tpu.memory_space<vmem>>)
    %dma_start3A_54 = arith.constant 0 : i32
    %dma_start3A_55 = arith.constant 0 : i32
    %dma_start3A_56 = tpu.memref_slice %arg2[%dma_start3A_54, %dma_start3A_55] : memref<10000x64xi32, #tpu.memory_space<hbm>> -> memref<10000x64xi32, #tpu.memory_space<hbm>>
    tpu.enqueue_indirect_dma source(%dma_start3A_56 : memref<10000x64xi32, #tpu.memory_space<hbm>>) target(%arg13 : memref<80x64xi32, #tpu.memory_space<vmem>>) offsets(%arg7 : memref<80xi32, #tpu.memory_space<vmem>>) semaphore(%arg16 : memref<!tpu.dma_semaphore, #tpu.memory_space<semaphore_mem>>)
    %add3A_57 = arith.constant 0 : i32
    %add3A_58 = arith.addi %mul3A_2, %add3A_57 : i32
    %dma_start3A_59 = arith.constant 0 : i32
    %dma_start3A_60 = tpu.memref_slice %arg5[%add3A_58, %dma_start3A_59] : memref<320000x128xf32, #tpu.memory_space<hbm>> -> memref<80x128xf32, #tpu.memory_space<hbm>>
    %dma_start3A_61 = arith.constant 0 : i32
    %dma_start3A_62 = tpu.memref_slice %arg5[%add3A_58, %dma_start3A_61] : memref<320000x128xf32, #tpu.memory_space<hbm>> -> memref<80x128xf32, #tpu.memory_space<hbm>>
    tpu.enqueue_dma source(%dma_start3A_62 : memref<80x128xf32, #tpu.memory_space<hbm>>) target(%arg11 : memref<80x128xf32, #tpu.memory_space<vmem>>) target_semaphore(%arg18 : memref<!tpu.dma_semaphore, #tpu.memory_space<semaphore_mem>>)
    %scan3A_63 = arith.constant 0 : i32
    %scan3A_64 = arith.constant 0 : i32
    %scan3A_65 = arith.constant 62 : i32
    %scan3A_66 = arith.addi %scan3A_64, %scan3A_65 : i32
    %scan3A_67 = arith.constant 1 : i32
    %scan3A_68 = scf.for %scan3A_137 = %scan3A_64 to %scan3A_66 step %scan3A_67 iter_args(%scan3A_138 = %scan3A_63) -> (i32)  : i32 {
      %mul3A_139 = arith.constant 2 : i32
      %mul3A_140 = arith.muli %mul3A_139, %scan3A_137 : i32
      %add3A_141 = arith.constant 1 : i32
      %add3A_142 = arith.addi %mul3A_140, %add3A_141 : i32
      %min3A_143 = arith.constant 124 : i32
      %min3A_144 = arith.minsi %add3A_142, %min3A_143 : i32
      %add3A_145 = arith.constant 2 : i32
      %add3A_146 = arith.addi %mul3A_140, %add3A_145 : i32
      %min3A_147 = arith.constant 124 : i32
      %min3A_148 = arith.minsi %add3A_146, %min3A_147 : i32
      %dma_wait3A_149 = tpu.memref_slice %arg3[%mul3A_2] : memref<320000xi32, #tpu.memory_space<hbm>> -> memref<80xi32, #tpu.memory_space<hbm>>
      %dma_wait3A_150 = tpu.memref_slice %arg3[%mul3A_2] : memref<320000xi32, #tpu.memory_space<hbm>> -> memref<80xi32, #tpu.memory_space<hbm>>
      tpu.wait_dma2 semaphore(%arg23 : memref<!tpu.dma_semaphore, #tpu.memory_space<semaphore_mem>>) src(%dma_wait3A_150 : memref<80xi32, #tpu.memory_space<hbm>>) dst(%arg8 : memref<80xi32, #tpu.memory_space<vmem>>)
      %dma_start3A_151 = arith.constant 0 : i32
      %dma_start3A_152 = arith.constant 0 : i32
      %dma_start3A_153 = tpu.memref_slice %arg2[%dma_start3A_151, %dma_start3A_152] : memref<10000x64xi32, #tpu.memory_space<hbm>> -> memref<10000x64xi32, #tpu.memory_space<hbm>>
      tpu.enqueue_indirect_dma source(%dma_start3A_153 : memref<10000x64xi32, #tpu.memory_space<hbm>>) target(%arg14 : memref<80x64xi32, #tpu.memory_space<vmem>>) offsets(%arg8 : memref<80xi32, #tpu.memory_space<vmem>>) semaphore(%arg17 : memref<!tpu.dma_semaphore, #tpu.memory_space<semaphore_mem>>)
      %gt3A = arith.constant 0 : i32
      %gt3A_154 = arith.cmpi sgt, %scan3A_137, %gt3A : i32
      %convert_element_type3A = arith.extui %gt3A_154 : i1 to i32
      %cond3A = arith.constant 0 : i32
      %cond3A_155 = arith.cmpi ne, %convert_element_type3A, %cond3A : i32
      scf.if %cond3A_155 {
        %dma_wait3A_241 = arith.constant 0 : i32
        %dma_wait3A_242 = arith.constant 0 : i32
        %dma_wait3A_243 = tpu.memref_slice %arg15[%dma_wait3A_241, %dma_wait3A_242] : memref<10240x128xf32, #tpu.memory_space<vmem_shared>> -> memref<10240x128xf32, #tpu.memory_space<vmem_shared>>
        tpu.wait_indirect_dma semaphore(%arg21 : memref<!tpu.dma_semaphore, #tpu.memory_space<semaphore_mem>>) src(%arg12 : memref<80x128xf32, #tpu.memory_space<vmem>>) dst(%dma_wait3A_243 : memref<10240x128xf32, #tpu.memory_space<vmem_shared>>)
      } else {
      }
      %mul3A_156 = arith.constant 80 : i32
      %mul3A_157 = arith.muli %min3A_144, %mul3A_156 : i32
      %add3A_158 = arith.addi %mul3A_2, %mul3A_157 : i32
      %dma_start3A_159 = tpu.memref_slice %arg4[%add3A_158] : memref<320000xi32, #tpu.memory_space<hbm>> -> memref<80xi32, #tpu.memory_space<hbm>>
      %dma_start3A_160 = tpu.memref_slice %arg4[%add3A_158] : memref<320000xi32, #tpu.memory_space<hbm>> -> memref<80xi32, #tpu.memory_space<hbm>>
      tpu.enqueue_dma source(%dma_start3A_160 : memref<80xi32, #tpu.memory_space<hbm>>) target(%arg10 : memref<80xi32, #tpu.memory_space<vmem>>) target_semaphore(%arg25 : memref<!tpu.dma_semaphore, #tpu.memory_space<semaphore_mem>>)
      %mul3A_161 = arith.constant 80 : i32
      %mul3A_162 = arith.muli %min3A_144, %mul3A_161 : i32
      %add3A_163 = arith.addi %mul3A_2, %mul3A_162 : i32
      %dma_start3A_164 = arith.constant 0 : i32
      %dma_start3A_165 = tpu.memref_slice %arg5[%add3A_163, %dma_start3A_164] : memref<320000x128xf32, #tpu.memory_space<hbm>> -> memref<80x128xf32, #tpu.memory_space<hbm>>
      %dma_start3A_166 = arith.constant 0 : i32
      %dma_start3A_167 = tpu.memref_slice %arg5[%add3A_163, %dma_start3A_166] : memref<320000x128xf32, #tpu.memory_space<hbm>> -> memref<80x128xf32, #tpu.memory_space<hbm>>
      tpu.enqueue_dma source(%dma_start3A_167 : memref<80x128xf32, #tpu.memory_space<hbm>>) target(%arg12 : memref<80x128xf32, #tpu.memory_space<vmem>>) target_semaphore(%arg19 : memref<!tpu.dma_semaphore, #tpu.memory_space<semaphore_mem>>)
      %dma_wait3A_168 = arith.constant 0 : i32
      %dma_wait3A_169 = arith.constant 0 : i32
      %dma_wait3A_170 = tpu.memref_slice %arg2[%dma_wait3A_168, %dma_wait3A_169] : memref<10000x64xi32, #tpu.memory_space<hbm>> -> memref<10000x64xi32, #tpu.memory_space<hbm>>
      tpu.wait_indirect_dma semaphore(%arg16 : memref<!tpu.dma_semaphore, #tpu.memory_space<semaphore_mem>>) src(%dma_wait3A_170 : memref<10000x64xi32, #tpu.memory_space<hbm>>) dst(%arg13 : memref<80x64xi32, #tpu.memory_space<vmem>>)
      %dma_wait3A_171 = arith.constant 0 : i32
      %dma_wait3A_172 = tpu.memref_slice %arg5[%mul3A_2, %dma_wait3A_171] : memref<320000x128xf32, #tpu.memory_space<hbm>> -> memref<80x128xf32, #tpu.memory_space<hbm>>
      %dma_wait3A_173 = arith.constant 0 : i32
      %dma_wait3A_174 = tpu.memref_slice %arg5[%mul3A_2, %dma_wait3A_173] : memref<320000x128xf32, #tpu.memory_space<hbm>> -> memref<80x128xf32, #tpu.memory_space<hbm>>
      tpu.wait_dma2 semaphore(%arg18 : memref<!tpu.dma_semaphore, #tpu.memory_space<semaphore_mem>>) src(%dma_wait3A_174 : memref<80x128xf32, #tpu.memory_space<hbm>>) dst(%arg11 : memref<80x128xf32, #tpu.memory_space<vmem>>)
      %mul3A_175 = arith.constant 80 : i32
      %mul3A_176 = arith.muli %min3A_148, %mul3A_175 : i32
      %add3A_177 = arith.addi %mul3A_2, %mul3A_176 : i32
      %dma_start3A_178 = tpu.memref_slice %arg3[%add3A_177] : memref<320000xi32, #tpu.memory_space<hbm>> -> memref<80xi32, #tpu.memory_space<hbm>>
      %dma_start3A_179 = tpu.memref_slice %arg3[%add3A_177] : memref<320000xi32, #tpu.memory_space<hbm>> -> memref<80xi32, #tpu.memory_space<hbm>>
      tpu.enqueue_dma source(%dma_start3A_179 : memref<80xi32, #tpu.memory_space<hbm>>) target(%arg7 : memref<80xi32, #tpu.memory_space<vmem>>) target_semaphore(%arg22 : memref<!tpu.dma_semaphore, #tpu.memory_space<semaphore_mem>>)
      %dma_wait3A_180 = tpu.memref_slice %arg4[%mul3A_2] : memref<320000xi32, #tpu.memory_space<hbm>> -> memref<80xi32, #tpu.memory_space<hbm>>
      %dma_wait3A_181 = tpu.memref_slice %arg4[%mul3A_2] : memref<320000xi32, #tpu.memory_space<hbm>> -> memref<80xi32, #tpu.memory_space<hbm>>
      tpu.wait_dma2 semaphore(%arg24 : memref<!tpu.dma_semaphore, #tpu.memory_space<semaphore_mem>>) src(%dma_wait3A_181 : memref<80xi32, #tpu.memory_space<hbm>>) dst(%arg9 : memref<80xi32, #tpu.memory_space<vmem>>)
      %parallel_loop3A_182 = arith.constant 0 : i32
      %parallel_loop3A_183 = arith.constant 80 : i32
      %parallel_loop3A_184 = arith.constant 1 : i32
      scf.for %parallel_loop3A_241 = %parallel_loop3A_182 to %parallel_loop3A_183 step %parallel_loop3A_184  : i32 {
        %parallel_loop3A_242 = arith.index_cast %parallel_loop3A_241 : i32 to index
        %parallel_loop3A_243 = arith.constant 0 : index
        %parallel_loop3A_244 = tpu.vector_load %arg13[%parallel_loop3A_242, %parallel_loop3A_243] {strides = array<i32>} : memref<80x64xi32, #tpu.memory_space<vmem>>, vector<1x16xi32>,
        %parallel_loop3A_245 = vector.shape_cast %parallel_loop3A_244 : vector<1x16xi32> to vector<16xi32>
        %parallel_loop3A_246 = arith.constant 16 : i32
        %parallel_loop3A_247 = vector.broadcast %parallel_loop3A_246 : i32 to vector<16xi32>
        %parallel_loop3A_248 = arith.shli %parallel_loop3A_245, %parallel_loop3A_247 : vector<16xi32>
        %parallel_loop3A_249 = tpu.bitcast %parallel_loop3A_248 : vector<16xi32> -> vector<16xf32>
        %parallel_loop3A_250 = arith.constant -65536 : i32
        %parallel_loop3A_251 = vector.broadcast %parallel_loop3A_250 : i32 to vector<16xi32>
        %parallel_loop3A_252 = arith.andi %parallel_loop3A_245, %parallel_loop3A_251 : vector<16xi32>
        %parallel_loop3A_253 = tpu.bitcast %parallel_loop3A_252 : vector<16xi32> -> vector<16xf32>
        %parallel_loop3A_254 = arith.index_cast %parallel_loop3A_241 : i32 to index
        %parallel_loop3A_255 = arith.constant 0 : index
        %parallel_loop3A_256 = tpu.vector_load %arg11[%parallel_loop3A_254, %parallel_loop3A_255] {strides = array<i32>} : memref<80x128xf32, #tpu.memory_space<vmem>>, vector<1x16xf32>,
        %parallel_loop3A_257 = vector.shape_cast %parallel_loop3A_256 : vector<1x16xf32> to vector<16xf32>
        %parallel_loop3A_258 = arith.addf %parallel_loop3A_257, %parallel_loop3A_249 : vector<16xf32>
        %parallel_loop3A_259 = arith.constant 0.000000e+00 : f32
        %parallel_loop3A_260 = vector.broadcast %parallel_loop3A_259 : f32 to vector<16xf32>
        %parallel_loop3A_261 = arith.maximumf %parallel_loop3A_258, %parallel_loop3A_260 : vector<16xf32>
        %parallel_loop3A_262 = arith.index_cast %parallel_loop3A_241 : i32 to index
        %parallel_loop3A_263 = arith.constant 0 : index
        %parallel_loop3A_264 = tpu.vector_load %arg11[%parallel_loop3A_262, %parallel_loop3A_263] {strides = array<i32>} : memref<80x128xf32, #tpu.memory_space<vmem>>, vector<1x16xf32>,
        %parallel_loop3A_265 = vector.shape_cast %parallel_loop3A_264 : vector<1x16xf32> to vector<16xf32>
        %parallel_loop3A_266 = vector.shape_cast %parallel_loop3A_261 : vector<16xf32> to vector<1x16xf32>
        tpu.vector_store %arg11[%parallel_loop3A_262, %parallel_loop3A_263], %parallel_loop3A_266 {strides = array<i32>} : memref<80x128xf32, #tpu.memory_space<vmem>>, vector<1x16xf32>,
        %parallel_loop3A_267 = arith.index_cast %parallel_loop3A_241 : i32 to index
        %parallel_loop3A_268 = arith.constant 16 : index
        %parallel_loop3A_269 = tpu.vector_load %arg11[%parallel_loop3A_267, %parallel_loop3A_268] {strides = array<i32>} : memref<80x128xf32, #tpu.memory_space<vmem>>, vector<1x16xf32>,
        %parallel_loop3A_270 = vector.shape_cast %parallel_loop3A_269 : vector<1x16xf32> to vector<16xf32>
        %parallel_loop3A_271 = arith.addf %parallel_loop3A_270, %parallel_loop3A_253 : vector<16xf32>
        %parallel_loop3A_272 = arith.constant 0.000000e+00 : f32
        %parallel_loop3A_273 = vector.broadcast %parallel_loop3A_272 : f32 to vector<16xf32>
        %parallel_loop3A_274 = arith.maximumf %parallel_loop3A_271, %parallel_loop3A_273 : vector<16xf32>
        %parallel_loop3A_275 = arith.index_cast %parallel_loop3A_241 : i32 to index
        %parallel_loop3A_276 = arith.constant 16 : index
        %parallel_loop3A_277 = tpu.vector_load %arg11[%parallel_loop3A_275, %parallel_loop3A_276] {strides = array<i32>} : memref<80x128xf32, #tpu.memory_space<vmem>>, vector<1x16xf32>,
        %parallel_loop3A_278 = vector.shape_cast %parallel_loop3A_277 : vector<1x16xf32> to vector<16xf32>
        %parallel_loop3A_279 = vector.shape_cast %parallel_loop3A_274 : vector<16xf32> to vector<1x16xf32>
        tpu.vector_store %arg11[%parallel_loop3A_275, %parallel_loop3A_276], %parallel_loop3A_279 {strides = array<i32>} : memref<80x128xf32, #tpu.memory_space<vmem>>, vector<1x16xf32>,
        %parallel_loop3A_280 = arith.index_cast %parallel_loop3A_241 : i32 to index
        %parallel_loop3A_281 = arith.constant 16 : index
        %parallel_loop3A_282 = tpu.vector_load %arg13[%parallel_loop3A_280, %parallel_loop3A_281] {strides = array<i32>} : memref<80x64xi32, #tpu.memory_space<vmem>>, vector<1x16xi32>,
        %parallel_loop3A_283 = vector.shape_cast %parallel_loop3A_282 : vector<1x16xi32> to vector<16xi32>
        %parallel_loop3A_284 = arith.constant 16 : i32
        %parallel_loop3A_285 = vector.broadcast %parallel_loop3A_284 : i32 to vector<16xi32>
        %parallel_loop3A_286 = arith.shli %parallel_loop3A_283, %parallel_loop3A_285 : vector<16xi32>
        %parallel_loop3A_287 = tpu.bitcast %parallel_loop3A_286 : vector<16xi32> -> vector<16xf32>
        %parallel_loop3A_288 = arith.constant -65536 : i32
        %parallel_loop3A_289 = vector.broadcast %parallel_loop3A_288 : i32 to vector<16xi32>
        %parallel_loop3A_290 = arith.andi %parallel_loop3A_283, %parallel_loop3A_289 : vector<16xi32>
        %parallel_loop3A_291 = tpu.bitcast %parallel_loop3A_290 : vector<16xi32> -> vector<16xf32>
        %parallel_loop3A_292 = arith.index_cast %parallel_loop3A_241 : i32 to index
        %parallel_loop3A_293 = arith.constant 32 : index
        %parallel_loop3A_294 = tpu.vector_load %arg11[%parallel_loop3A_292, %parallel_loop3A_293] {strides = array<i32>} : memref<80x128xf32, #tpu.memory_space<vmem>>, vector<1x16xf32>,
        %parallel_loop3A_295 = vector.shape_cast %parallel_loop3A_294 : vector<1x16xf32> to vector<16xf32>
        %parallel_loop3A_296 = arith.addf %parallel_loop3A_295, %parallel_loop3A_287 : vector<16xf32>
        %parallel_loop3A_297 = arith.constant 0.000000e+00 : f32
        %parallel_loop3A_298 = vector.broadcast %parallel_loop3A_297 : f32 to vector<16xf32>
        %parallel_loop3A_299 = arith.maximumf %parallel_loop3A_296, %parallel_loop3A_298 : vector<16xf32>
        %parallel_loop3A_300 = arith.index_cast %parallel_loop3A_241 : i32 to index
        %parallel_loop3A_301 = arith.constant 32 : index
        %parallel_loop3A_302 = tpu.vector_load %arg11[%parallel_loop3A_300, %parallel_loop3A_301] {strides = array<i32>} : memref<80x128xf32, #tpu.memory_space<vmem>>, vector<1x16xf32>,
        %parallel_loop3A_303 = vector.shape_cast %parallel_loop3A_302 : vector<1x16xf32> to vector<16xf32>
        %parallel_loop3A_304 = vector.shape_cast %parallel_loop3A_299 : vector<16xf32> to vector<1x16xf32>
        tpu.vector_store %arg11[%parallel_loop3A_300, %parallel_loop3A_301], %parallel_loop3A_304 {strides = array<i32>} : memref<80x128xf32, #tpu.memory_space<vmem>>, vector<1x16xf32>,
        %parallel_loop3A_305 = arith.index_cast %parallel_loop3A_241 : i32 to index
        %parallel_loop3A_306 = arith.constant 48 : index
        %parallel_loop3A_307 = tpu.vector_load %arg11[%parallel_loop3A_305, %parallel_loop3A_306] {strides = array<i32>} : memref<80x128xf32, #tpu.memory_space<vmem>>, vector<1x16xf32>,
        %parallel_loop3A_308 = vector.shape_cast %parallel_loop3A_307 : vector<1x16xf32> to vector<16xf32>
        %parallel_loop3A_309 = arith.addf %parallel_loop3A_308, %parallel_loop3A_291 : vector<16xf32>
        %parallel_loop3A_310 = arith.constant 0.000000e+00 : f32
        %parallel_loop3A_311 = vector.broadcast %parallel_loop3A_310 : f32 to vector<16xf32>
        %parallel_loop3A_312 = arith.maximumf %parallel_loop3A_309, %parallel_loop3A_311 : vector<16xf32>
        %parallel_loop3A_313 = arith.index_cast %parallel_loop3A_241 : i32 to index
        %parallel_loop3A_314 = arith.constant 48 : index
        %parallel_loop3A_315 = tpu.vector_load %arg11[%parallel_loop3A_313, %parallel_loop3A_314] {strides = array<i32>} : memref<80x128xf32, #tpu.memory_space<vmem>>, vector<1x16xf32>,
        %parallel_loop3A_316 = vector.shape_cast %parallel_loop3A_315 : vector<1x16xf32> to vector<16xf32>
        %parallel_loop3A_317 = vector.shape_cast %parallel_loop3A_312 : vector<16xf32> to vector<1x16xf32>
        tpu.vector_store %arg11[%parallel_loop3A_313, %parallel_loop3A_314], %parallel_loop3A_317 {strides = array<i32>} : memref<80x128xf32, #tpu.memory_space<vmem>>, vector<1x16xf32>,
        %parallel_loop3A_318 = arith.index_cast %parallel_loop3A_241 : i32 to index
        %parallel_loop3A_319 = arith.constant 32 : index
        %parallel_loop3A_320 = tpu.vector_load %arg13[%parallel_loop3A_318, %parallel_loop3A_319] {strides = array<i32>} : memref<80x64xi32, #tpu.memory_space<vmem>>, vector<1x16xi32>,
        %parallel_loop3A_321 = vector.shape_cast %parallel_loop3A_320 : vector<1x16xi32> to vector<16xi32>
        %parallel_loop3A_322 = arith.constant 16 : i32
        %parallel_loop3A_323 = vector.broadcast %parallel_loop3A_322 : i32 to vector<16xi32>
        %parallel_loop3A_324 = arith.shli %parallel_loop3A_321, %parallel_loop3A_323 : vector<16xi32>
        %parallel_loop3A_325 = tpu.bitcast %parallel_loop3A_324 : vector<16xi32> -> vector<16xf32>
        %parallel_loop3A_326 = arith.constant -65536 : i32
        %parallel_loop3A_327 = vector.broadcast %parallel_loop3A_326 : i32 to vector<16xi32>
        %parallel_loop3A_328 = arith.andi %parallel_loop3A_321, %parallel_loop3A_327 : vector<16xi32>
        %parallel_loop3A_329 = tpu.bitcast %parallel_loop3A_328 : vector<16xi32> -> vector<16xf32>
        %parallel_loop3A_330 = arith.index_cast %parallel_loop3A_241 : i32 to index
        %parallel_loop3A_331 = arith.constant 64 : index
        %parallel_loop3A_332 = tpu.vector_load %arg11[%parallel_loop3A_330, %parallel_loop3A_331] {strides = array<i32>} : memref<80x128xf32, #tpu.memory_space<vmem>>, vector<1x16xf32>,
        %parallel_loop3A_333 = vector.shape_cast %parallel_loop3A_332 : vector<1x16xf32> to vector<16xf32>
        %parallel_loop3A_334 = arith.addf %parallel_loop3A_333, %parallel_loop3A_325 : vector<16xf32>
        %parallel_loop3A_335 = arith.constant 0.000000e+00 : f32
        %parallel_loop3A_336 = vector.broadcast %parallel_loop3A_335 : f32 to vector<16xf32>
        %parallel_loop3A_337 = arith.maximumf %parallel_loop3A_334, %parallel_loop3A_336 : vector<16xf32>
        %parallel_loop3A_338 = arith.index_cast %parallel_loop3A_241 : i32 to index
        %parallel_loop3A_339 = arith.constant 64 : index
        %parallel_loop3A_340 = tpu.vector_load %arg11[%parallel_loop3A_338, %parallel_loop3A_339] {strides = array<i32>} : memref<80x128xf32, #tpu.memory_space<vmem>>, vector<1x16xf32>,
        %parallel_loop3A_341 = vector.shape_cast %parallel_loop3A_340 : vector<1x16xf32> to vector<16xf32>
        %parallel_loop3A_342 = vector.shape_cast %parallel_loop3A_337 : vector<16xf32> to vector<1x16xf32>
        tpu.vector_store %arg11[%parallel_loop3A_338, %parallel_loop3A_339], %parallel_loop3A_342 {strides = array<i32>} : memref<80x128xf32, #tpu.memory_space<vmem>>, vector<1x16xf32>,
        %parallel_loop3A_343 = arith.index_cast %parallel_loop3A_241 : i32 to index
        %parallel_loop3A_344 = arith.constant 80 : index
        %parallel_loop3A_345 = tpu.vector_load %arg11[%parallel_loop3A_343, %parallel_loop3A_344] {strides = array<i32>} : memref<80x128xf32, #tpu.memory_space<vmem>>, vector<1x16xf32>,
        %parallel_loop3A_346 = vector.shape_cast %parallel_loop3A_345 : vector<1x16xf32> to vector<16xf32>
        %parallel_loop3A_347 = arith.addf %parallel_loop3A_346, %parallel_loop3A_329 : vector<16xf32>
        %parallel_loop3A_348 = arith.constant 0.000000e+00 : f32
        %parallel_loop3A_349 = vector.broadcast %parallel_loop3A_348 : f32 to vector<16xf32>
        %parallel_loop3A_350 = arith.maximumf %parallel_loop3A_347, %parallel_loop3A_349 : vector<16xf32>
        %parallel_loop3A_351 = arith.index_cast %parallel_loop3A_241 : i32 to index
        %parallel_loop3A_352 = arith.constant 80 : index
        %parallel_loop3A_353 = tpu.vector_load %arg11[%parallel_loop3A_351, %parallel_loop3A_352] {strides = array<i32>} : memref<80x128xf32, #tpu.memory_space<vmem>>, vector<1x16xf32>,
        %parallel_loop3A_354 = vector.shape_cast %parallel_loop3A_353 : vector<1x16xf32> to vector<16xf32>
        %parallel_loop3A_355 = vector.shape_cast %parallel_loop3A_350 : vector<16xf32> to vector<1x16xf32>
        tpu.vector_store %arg11[%parallel_loop3A_351, %parallel_loop3A_352], %parallel_loop3A_355 {strides = array<i32>} : memref<80x128xf32, #tpu.memory_space<vmem>>, vector<1x16xf32>,
        %parallel_loop3A_356 = arith.index_cast %parallel_loop3A_241 : i32 to index
        %parallel_loop3A_357 = arith.constant 48 : index
        %parallel_loop3A_358 = tpu.vector_load %arg13[%parallel_loop3A_356, %parallel_loop3A_357] {strides = array<i32>} : memref<80x64xi32, #tpu.memory_space<vmem>>, vector<1x16xi32>,
        %parallel_loop3A_359 = vector.shape_cast %parallel_loop3A_358 : vector<1x16xi32> to vector<16xi32>
        %parallel_loop3A_360 = arith.constant 16 : i32
        %parallel_loop3A_361 = vector.broadcast %parallel_loop3A_360 : i32 to vector<16xi32>
        %parallel_loop3A_362 = arith.shli %parallel_loop3A_359, %parallel_loop3A_361 : vector<16xi32>
        %parallel_loop3A_363 = tpu.bitcast %parallel_loop3A_362 : vector<16xi32> -> vector<16xf32>
        %parallel_loop3A_364 = arith.constant -65536 : i32
        %parallel_loop3A_365 = vector.broadcast %parallel_loop3A_364 : i32 to vector<16xi32>
        %parallel_loop3A_366 = arith.andi %parallel_loop3A_359, %parallel_loop3A_365 : vector<16xi32>
        %parallel_loop3A_367 = tpu.bitcast %parallel_loop3A_366 : vector<16xi32> -> vector<16xf32>
        %parallel_loop3A_368 = arith.index_cast %parallel_loop3A_241 : i32 to index
        %parallel_loop3A_369 = arith.constant 96 : index
        %parallel_loop3A_370 = tpu.vector_load %arg11[%parallel_loop3A_368, %parallel_loop3A_369] {strides = array<i32>} : memref<80x128xf32, #tpu.memory_space<vmem>>, vector<1x16xf32>,
        %parallel_loop3A_371 = vector.shape_cast %parallel_loop3A_370 : vector<1x16xf32> to vector<16xf32>
        %parallel_loop3A_372 = arith.addf %parallel_loop3A_371, %parallel_loop3A_363 : vector<16xf32>
        %parallel_loop3A_373 = arith.constant 0.000000e+00 : f32
        %parallel_loop3A_374 = vector.broadcast %parallel_loop3A_373 : f32 to vector<16xf32>
        %parallel_loop3A_375 = arith.maximumf %parallel_loop3A_372, %parallel_loop3A_374 : vector<16xf32>
        %parallel_loop3A_376 = arith.index_cast %parallel_loop3A_241 : i32 to index
        %parallel_loop3A_377 = arith.constant 96 : index
        %parallel_loop3A_378 = tpu.vector_load %arg11[%parallel_loop3A_376, %parallel_loop3A_377] {strides = array<i32>} : memref<80x128xf32, #tpu.memory_space<vmem>>, vector<1x16xf32>,
        %parallel_loop3A_379 = vector.shape_cast %parallel_loop3A_378 : vector<1x16xf32> to vector<16xf32>
        %parallel_loop3A_380 = vector.shape_cast %parallel_loop3A_375 : vector<16xf32> to vector<1x16xf32>
        tpu.vector_store %arg11[%parallel_loop3A_376, %parallel_loop3A_377], %parallel_loop3A_380 {strides = array<i32>} : memref<80x128xf32, #tpu.memory_space<vmem>>, vector<1x16xf32>,
        %parallel_loop3A_381 = arith.index_cast %parallel_loop3A_241 : i32 to index
        %parallel_loop3A_382 = arith.constant 112 : index
        %parallel_loop3A_383 = tpu.vector_load %arg11[%parallel_loop3A_381, %parallel_loop3A_382] {strides = array<i32>} : memref<80x128xf32, #tpu.memory_space<vmem>>, vector<1x16xf32>,
        %parallel_loop3A_384 = vector.shape_cast %parallel_loop3A_383 : vector<1x16xf32> to vector<16xf32>
        %parallel_loop3A_385 = arith.addf %parallel_loop3A_384, %parallel_loop3A_367 : vector<16xf32>
        %parallel_loop3A_386 = arith.constant 0.000000e+00 : f32
        %parallel_loop3A_387 = vector.broadcast %parallel_loop3A_386 : f32 to vector<16xf32>
        %parallel_loop3A_388 = arith.maximumf %parallel_loop3A_385, %parallel_loop3A_387 : vector<16xf32>
        %parallel_loop3A_389 = arith.index_cast %parallel_loop3A_241 : i32 to index
        %parallel_loop3A_390 = arith.constant 112 : index
        %parallel_loop3A_391 = tpu.vector_load %arg11[%parallel_loop3A_389, %parallel_loop3A_390] {strides = array<i32>} : memref<80x128xf32, #tpu.memory_space<vmem>>, vector<1x16xf32>,
        %parallel_loop3A_392 = vector.shape_cast %parallel_loop3A_391 : vector<1x16xf32> to vector<16xf32>
        %parallel_loop3A_393 = vector.shape_cast %parallel_loop3A_388 : vector<16xf32> to vector<1x16xf32>
        tpu.vector_store %arg11[%parallel_loop3A_389, %parallel_loop3A_390], %parallel_loop3A_393 {strides = array<i32>} : memref<80x128xf32, #tpu.memory_space<vmem>>, vector<1x16xf32>,
      } {sc.loop_unroll_factor = 4 : i64, sc.parallel_access}
      %dma_start3A_185 = arith.constant 0 : i32
      %dma_start3A_186 = arith.constant 0 : i32
      %dma_start3A_187 = tpu.memref_slice %arg15[%dma_start3A_185, %dma_start3A_186] : memref<10240x128xf32, #tpu.memory_space<vmem_shared>> -> memref<10240x128xf32, #tpu.memory_space<vmem_shared>>
      tpu.enqueue_indirect_dma source(%arg11 : memref<80x128xf32, #tpu.memory_space<vmem>>) target(%dma_start3A_187 : memref<10240x128xf32, #tpu.memory_space<vmem_shared>>) offsets(%arg9 : memref<80xi32, #tpu.memory_space<vmem>>) semaphore(%arg20 : memref<!tpu.dma_semaphore, #tpu.memory_space<semaphore_mem>>) {add = true}
      %mul3A_188 = arith.constant 2 : i32
      %mul3A_189 = arith.muli %mul3A_188, %scan3A_137 : i32
      %add3A_190 = arith.constant 1 : i32
      %add3A_191 = arith.addi %mul3A_189, %add3A_190 : i32
      %add3A_192 = arith.constant 1 : i32
      %add3A_193 = arith.addi %add3A_191, %add3A_192 : i32
      %min3A_194 = arith.constant 124 : i32
      %min3A_195 = arith.minsi %add3A_193, %min3A_194 : i32
      %add3A_196 = arith.constant 2 : i32
      %add3A_197 = arith.addi %add3A_191, %add3A_196 : i32
      %min3A_198 = arith.constant 124 : i32
      %min3A_199 = arith.minsi %add3A_197, %min3A_198 : i32
      %dma_wait3A_200 = tpu.memref_slice %arg3[%mul3A_2] : memref<320000xi32, #tpu.memory_space<hbm>> -> memref<80xi32, #tpu.memory_space<hbm>>
      %dma_wait3A_201 = tpu.memref_slice %arg3[%mul3A_2] : memref<320000xi32, #tpu.memory_space<hbm>> -> memref<80xi32, #tpu.memory_space<hbm>>
      tpu.wait_dma2 semaphore(%arg22 : memref<!tpu.dma_semaphore, #tpu.memory_space<semaphore_mem>>) src(%dma_wait3A_201 : memref<80xi32, #tpu.memory_space<hbm>>) dst(%arg7 : memref<80xi32, #tpu.memory_space<vmem>>)
      %dma_start3A_202 = arith.constant 0 : i32
      %dma_start3A_203 = arith.constant 0 : i32
      %dma_start3A_204 = tpu.memref_slice %arg2[%dma_start3A_202, %dma_start3A_203] : memref<10000x64xi32, #tpu.memory_space<hbm>> -> memref<10000x64xi32, #tpu.memory_space<hbm>>
      tpu.enqueue_indirect_dma source(%dma_start3A_204 : memref<10000x64xi32, #tpu.memory_space<hbm>>) target(%arg13 : memref<80x64xi32, #tpu.memory_space<vmem>>) offsets(%arg7 : memref<80xi32, #tpu.memory_space<vmem>>) semaphore(%arg16 : memref<!tpu.dma_semaphore, #tpu.memory_space<semaphore_mem>>)
      %dma_wait3A_205 = arith.constant 0 : i32
      %dma_wait3A_206 = arith.constant 0 : i32
      %dma_wait3A_207 = tpu.memref_slice %arg15[%dma_wait3A_205, %dma_wait3A_206] : memref<10240x128xf32, #tpu.memory_space<vmem_shared>> -> memref<10240x128xf32, #tpu.memory_space<vmem_shared>>
      tpu.wait_indirect_dma semaphore(%arg20 : memref<!tpu.dma_semaphore, #tpu.memory_space<semaphore_mem>>) src(%arg11 : memref<80x128xf32, #tpu.memory_space<vmem>>) dst(%dma_wait3A_207 : memref<10240x128xf32, #tpu.memory_space<vmem_shared>>)
      %mul3A_208 = arith.constant 80 : i32
      %mul3A_209 = arith.muli %min3A_195, %mul3A_208 : i32
      %add3A_210 = arith.addi %mul3A_2, %mul3A_209 : i32
      %dma_start3A_211 = tpu.memref_slice %arg4[%add3A_210] : memref<320000xi32, #tpu.memory_space<hbm>> -> memref<80xi32, #tpu.memory_space<hbm>>
      %dma_start3A_212 = tpu.memref_slice %arg4[%add3A_210] : memref<320000xi32, #tpu.memory_space<hbm>> -> memref<80xi32, #tpu.memory_space<hbm>>
      tpu.enqueue_dma source(%dma_start3A_212 : memref<80xi32, #tpu.memory_space<hbm>>) target(%arg9 : memref<80xi32, #tpu.memory_space<vmem>>) target_semaphore(%arg24 : memref<!tpu.dma_semaphore, #tpu.memory_space<semaphore_mem>>)
      %mul3A_213 = arith.constant 80 : i32
      %mul3A_214 = arith.muli %min3A_195, %mul3A_213 : i32
      %add3A_215 = arith.addi %mul3A_2, %mul3A_214 : i32
      %dma_start3A_216 = arith.constant 0 : i32
      %dma_start3A_217 = tpu.memref_slice %arg5[%add3A_215, %dma_start3A_216] : memref<320000x128xf32, #tpu.memory_space<hbm>> -> memref<80x128xf32, #tpu.memory_space<hbm>>
      %dma_start3A_218 = arith.constant 0 : i32
      %dma_start3A_219 = tpu.memref_slice %arg5[%add3A_215, %dma_start3A_218] : memref<320000x128xf32, #tpu.memory_space<hbm>> -> memref<80x128xf32, #tpu.memory_space<hbm>>
      tpu.enqueue_dma source(%dma_start3A_219 : memref<80x128xf32, #tpu.memory_space<hbm>>) target(%arg11 : memref<80x128xf32, #tpu.memory_space<vmem>>) target_semaphore(%arg18 : memref<!tpu.dma_semaphore, #tpu.memory_space<semaphore_mem>>)
      %dma_wait3A_220 = arith.constant 0 : i32
      %dma_wait3A_221 = arith.constant 0 : i32
      %dma_wait3A_222 = tpu.memref_slice %arg2[%dma_wait3A_220, %dma_wait3A_221] : memref<10000x64xi32, #tpu.memory_space<hbm>> -> memref<10000x64xi32, #tpu.memory_space<hbm>>
      tpu.wait_indirect_dma semaphore(%arg17 : memref<!tpu.dma_semaphore, #tpu.memory_space<semaphore_mem>>) src(%dma_wait3A_222 : memref<10000x64xi32, #tpu.memory_space<hbm>>) dst(%arg14 : memref<80x64xi32, #tpu.memory_space<vmem>>)
      %dma_wait3A_223 = arith.constant 0 : i32
      %dma_wait3A_224 = tpu.memref_slice %arg5[%mul3A_2, %dma_wait3A_223] : memref<320000x128xf32, #tpu.memory_space<hbm>> -> memref<80x128xf32, #tpu.memory_space<hbm>>
      %dma_wait3A_225 = arith.constant 0 : i32
      %dma_wait3A_226 = tpu.memref_slice %arg5[%mul3A_2, %dma_wait3A_225] : memref<320000x128xf32, #tpu.memory_space<hbm>> -> memref<80x128xf32, #tpu.memory_space<hbm>>
      tpu.wait_dma2 semaphore(%arg19 : memref<!tpu.dma_semaphore, #tpu.memory_space<semaphore_mem>>) src(%dma_wait3A_226 : memref<80x128xf32, #tpu.memory_space<hbm>>) dst(%arg12 : memref<80x128xf32, #tpu.memory_space<vmem>>)
      %mul3A_227 = arith.constant 80 : i32
      %mul3A_228 = arith.muli %min3A_199, %mul3A_227 : i32
      %add3A_229 = arith.addi %mul3A_2, %mul3A_228 : i32
      %dma_start3A_230 = tpu.memref_slice %arg3[%add3A_229] : memref<320000xi32, #tpu.memory_space<hbm>> -> memref<80xi32, #tpu.memory_space<hbm>>
      %dma_start3A_231 = tpu.memref_slice %arg3[%add3A_229] : memref<320000xi32, #tpu.memory_space<hbm>> -> memref<80xi32, #tpu.memory_space<hbm>>
      tpu.enqueue_dma source(%dma_start3A_231 : memref<80xi32, #tpu.memory_space<hbm>>) target(%arg8 : memref<80xi32, #tpu.memory_space<vmem>>) target_semaphore(%arg23 : memref<!tpu.dma_semaphore, #tpu.memory_space<semaphore_mem>>)
      %dma_wait3A_232 = tpu.memref_slice %arg4[%mul3A_2] : memref<320000xi32, #tpu.memory_space<hbm>> -> memref<80xi32, #tpu.memory_space<hbm>>
      %dma_wait3A_233 = tpu.memref_slice %arg4[%mul3A_2] : memref<320000xi32, #tpu.memory_space<hbm>> -> memref<80xi32, #tpu.memory_space<hbm>>
      tpu.wait_dma2 semaphore(%arg25 : memref<!tpu.dma_semaphore, #tpu.memory_space<semaphore_mem>>) src(%dma_wait3A_233 : memref<80xi32, #tpu.memory_space<hbm>>) dst(%arg10 : memref<80xi32, #tpu.memory_space<vmem>>)
      %parallel_loop3A_234 = arith.constant 0 : i32
      %parallel_loop3A_235 = arith.constant 80 : i32
      %parallel_loop3A_236 = arith.constant 1 : i32
      scf.for %parallel_loop3A_241 = %parallel_loop3A_234 to %parallel_loop3A_235 step %parallel_loop3A_236  : i32 {
        %parallel_loop3A_242 = arith.index_cast %parallel_loop3A_241 : i32 to index
        %parallel_loop3A_243 = arith.constant 0 : index
        %parallel_loop3A_244 = tpu.vector_load %arg14[%parallel_loop3A_242, %parallel_loop3A_243] {strides = array<i32>} : memref<80x64xi32, #tpu.memory_space<vmem>>, vector<1x16xi32>,
        %parallel_loop3A_245 = vector.shape_cast %parallel_loop3A_244 : vector<1x16xi32> to vector<16xi32>
        %parallel_loop3A_246 = arith.constant 16 : i32
        %parallel_loop3A_247 = vector.broadcast %parallel_loop3A_246 : i32 to vector<16xi32>
        %parallel_loop3A_248 = arith.shli %parallel_loop3A_245, %parallel_loop3A_247 : vector<16xi32>
        %parallel_loop3A_249 = tpu.bitcast %parallel_loop3A_248 : vector<16xi32> -> vector<16xf32>
        %parallel_loop3A_250 = arith.constant -65536 : i32
        %parallel_loop3A_251 = vector.broadcast %parallel_loop3A_250 : i32 to vector<16xi32>
        %parallel_loop3A_252 = arith.andi %parallel_loop3A_245, %parallel_loop3A_251 : vector<16xi32>
        %parallel_loop3A_253 = tpu.bitcast %parallel_loop3A_252 : vector<16xi32> -> vector<16xf32>
        %parallel_loop3A_254 = arith.index_cast %parallel_loop3A_241 : i32 to index
        %parallel_loop3A_255 = arith.constant 0 : index
        %parallel_loop3A_256 = tpu.vector_load %arg12[%parallel_loop3A_254, %parallel_loop3A_255] {strides = array<i32>} : memref<80x128xf32, #tpu.memory_space<vmem>>, vector<1x16xf32>,
        %parallel_loop3A_257 = vector.shape_cast %parallel_loop3A_256 : vector<1x16xf32> to vector<16xf32>
        %parallel_loop3A_258 = arith.addf %parallel_loop3A_257, %parallel_loop3A_249 : vector<16xf32>
        %parallel_loop3A_259 = arith.constant 0.000000e+00 : f32
        %parallel_loop3A_260 = vector.broadcast %parallel_loop3A_259 : f32 to vector<16xf32>
        %parallel_loop3A_261 = arith.maximumf %parallel_loop3A_258, %parallel_loop3A_260 : vector<16xf32>
        %parallel_loop3A_262 = arith.index_cast %parallel_loop3A_241 : i32 to index
        %parallel_loop3A_263 = arith.constant 0 : index
        %parallel_loop3A_264 = tpu.vector_load %arg12[%parallel_loop3A_262, %parallel_loop3A_263] {strides = array<i32>} : memref<80x128xf32, #tpu.memory_space<vmem>>, vector<1x16xf32>,
        %parallel_loop3A_265 = vector.shape_cast %parallel_loop3A_264 : vector<1x16xf32> to vector<16xf32>
        %parallel_loop3A_266 = vector.shape_cast %parallel_loop3A_261 : vector<16xf32> to vector<1x16xf32>
        tpu.vector_store %arg12[%parallel_loop3A_262, %parallel_loop3A_263], %parallel_loop3A_266 {strides = array<i32>} : memref<80x128xf32, #tpu.memory_space<vmem>>, vector<1x16xf32>,
        %parallel_loop3A_267 = arith.index_cast %parallel_loop3A_241 : i32 to index
        %parallel_loop3A_268 = arith.constant 16 : index
        %parallel_loop3A_269 = tpu.vector_load %arg12[%parallel_loop3A_267, %parallel_loop3A_268] {strides = array<i32>} : memref<80x128xf32, #tpu.memory_space<vmem>>, vector<1x16xf32>,
        %parallel_loop3A_270 = vector.shape_cast %parallel_loop3A_269 : vector<1x16xf32> to vector<16xf32>
        %parallel_loop3A_271 = arith.addf %parallel_loop3A_270, %parallel_loop3A_253 : vector<16xf32>
        %parallel_loop3A_272 = arith.constant 0.000000e+00 : f32
        %parallel_loop3A_273 = vector.broadcast %parallel_loop3A_272 : f32 to vector<16xf32>
        %parallel_loop3A_274 = arith.maximumf %parallel_loop3A_271, %parallel_loop3A_273 : vector<16xf32>
        %parallel_loop3A_275 = arith.index_cast %parallel_loop3A_241 : i32 to index
        %parallel_loop3A_276 = arith.constant 16 : index
        %parallel_loop3A_277 = tpu.vector_load %arg12[%parallel_loop3A_275, %parallel_loop3A_276] {strides = array<i32>} : memref<80x128xf32, #tpu.memory_space<vmem>>, vector<1x16xf32>,
        %parallel_loop3A_278 = vector.shape_cast %parallel_loop3A_277 : vector<1x16xf32> to vector<16xf32>
        %parallel_loop3A_279 = vector.shape_cast %parallel_loop3A_274 : vector<16xf32> to vector<1x16xf32>
        tpu.vector_store %arg12[%parallel_loop3A_275, %parallel_loop3A_276], %parallel_loop3A_279 {strides = array<i32>} : memref<80x128xf32, #tpu.memory_space<vmem>>, vector<1x16xf32>,
        %parallel_loop3A_280 = arith.index_cast %parallel_loop3A_241 : i32 to index
        %parallel_loop3A_281 = arith.constant 16 : index
        %parallel_loop3A_282 = tpu.vector_load %arg14[%parallel_loop3A_280, %parallel_loop3A_281] {strides = array<i32>} : memref<80x64xi32, #tpu.memory_space<vmem>>, vector<1x16xi32>,
        %parallel_loop3A_283 = vector.shape_cast %parallel_loop3A_282 : vector<1x16xi32> to vector<16xi32>
        %parallel_loop3A_284 = arith.constant 16 : i32
        %parallel_loop3A_285 = vector.broadcast %parallel_loop3A_284 : i32 to vector<16xi32>
        %parallel_loop3A_286 = arith.shli %parallel_loop3A_283, %parallel_loop3A_285 : vector<16xi32>
        %parallel_loop3A_287 = tpu.bitcast %parallel_loop3A_286 : vector<16xi32> -> vector<16xf32>
        %parallel_loop3A_288 = arith.constant -65536 : i32
        %parallel_loop3A_289 = vector.broadcast %parallel_loop3A_288 : i32 to vector<16xi32>
        %parallel_loop3A_290 = arith.andi %parallel_loop3A_283, %parallel_loop3A_289 : vector<16xi32>
        %parallel_loop3A_291 = tpu.bitcast %parallel_loop3A_290 : vector<16xi32> -> vector<16xf32>
        %parallel_loop3A_292 = arith.index_cast %parallel_loop3A_241 : i32 to index
        %parallel_loop3A_293 = arith.constant 32 : index
        %parallel_loop3A_294 = tpu.vector_load %arg12[%parallel_loop3A_292, %parallel_loop3A_293] {strides = array<i32>} : memref<80x128xf32, #tpu.memory_space<vmem>>, vector<1x16xf32>,
        %parallel_loop3A_295 = vector.shape_cast %parallel_loop3A_294 : vector<1x16xf32> to vector<16xf32>
        %parallel_loop3A_296 = arith.addf %parallel_loop3A_295, %parallel_loop3A_287 : vector<16xf32>
        %parallel_loop3A_297 = arith.constant 0.000000e+00 : f32
        %parallel_loop3A_298 = vector.broadcast %parallel_loop3A_297 : f32 to vector<16xf32>
        %parallel_loop3A_299 = arith.maximumf %parallel_loop3A_296, %parallel_loop3A_298 : vector<16xf32>
        %parallel_loop3A_300 = arith.index_cast %parallel_loop3A_241 : i32 to index
        %parallel_loop3A_301 = arith.constant 32 : index
        %parallel_loop3A_302 = tpu.vector_load %arg12[%parallel_loop3A_300, %parallel_loop3A_301] {strides = array<i32>} : memref<80x128xf32, #tpu.memory_space<vmem>>, vector<1x16xf32>,
        %parallel_loop3A_303 = vector.shape_cast %parallel_loop3A_302 : vector<1x16xf32> to vector<16xf32>
        %parallel_loop3A_304 = vector.shape_cast %parallel_loop3A_299 : vector<16xf32> to vector<1x16xf32>
        tpu.vector_store %arg12[%parallel_loop3A_300, %parallel_loop3A_301], %parallel_loop3A_304 {strides = array<i32>} : memref<80x128xf32, #tpu.memory_space<vmem>>, vector<1x16xf32>,
        %parallel_loop3A_305 = arith.index_cast %parallel_loop3A_241 : i32 to index
        %parallel_loop3A_306 = arith.constant 48 : index
        %parallel_loop3A_307 = tpu.vector_load %arg12[%parallel_loop3A_305, %parallel_loop3A_306] {strides = array<i32>} : memref<80x128xf32, #tpu.memory_space<vmem>>, vector<1x16xf32>,
        %parallel_loop3A_308 = vector.shape_cast %parallel_loop3A_307 : vector<1x16xf32> to vector<16xf32>
        %parallel_loop3A_309 = arith.addf %parallel_loop3A_308, %parallel_loop3A_291 : vector<16xf32>
        %parallel_loop3A_310 = arith.constant 0.000000e+00 : f32
        %parallel_loop3A_311 = vector.broadcast %parallel_loop3A_310 : f32 to vector<16xf32>
        %parallel_loop3A_312 = arith.maximumf %parallel_loop3A_309, %parallel_loop3A_311 : vector<16xf32>
        %parallel_loop3A_313 = arith.index_cast %parallel_loop3A_241 : i32 to index
        %parallel_loop3A_314 = arith.constant 48 : index
        %parallel_loop3A_315 = tpu.vector_load %arg12[%parallel_loop3A_313, %parallel_loop3A_314] {strides = array<i32>} : memref<80x128xf32, #tpu.memory_space<vmem>>, vector<1x16xf32>,
        %parallel_loop3A_316 = vector.shape_cast %parallel_loop3A_315 : vector<1x16xf32> to vector<16xf32>
        %parallel_loop3A_317 = vector.shape_cast %parallel_loop3A_312 : vector<16xf32> to vector<1x16xf32>
        tpu.vector_store %arg12[%parallel_loop3A_313, %parallel_loop3A_314], %parallel_loop3A_317 {strides = array<i32>} : memref<80x128xf32, #tpu.memory_space<vmem>>, vector<1x16xf32>,
        %parallel_loop3A_318 = arith.index_cast %parallel_loop3A_241 : i32 to index
        %parallel_loop3A_319 = arith.constant 32 : index
        %parallel_loop3A_320 = tpu.vector_load %arg14[%parallel_loop3A_318, %parallel_loop3A_319] {strides = array<i32>} : memref<80x64xi32, #tpu.memory_space<vmem>>, vector<1x16xi32>,
        %parallel_loop3A_321 = vector.shape_cast %parallel_loop3A_320 : vector<1x16xi32> to vector<16xi32>
        %parallel_loop3A_322 = arith.constant 16 : i32
        %parallel_loop3A_323 = vector.broadcast %parallel_loop3A_322 : i32 to vector<16xi32>
        %parallel_loop3A_324 = arith.shli %parallel_loop3A_321, %parallel_loop3A_323 : vector<16xi32>
        %parallel_loop3A_325 = tpu.bitcast %parallel_loop3A_324 : vector<16xi32> -> vector<16xf32>
        %parallel_loop3A_326 = arith.constant -65536 : i32
        %parallel_loop3A_327 = vector.broadcast %parallel_loop3A_326 : i32 to vector<16xi32>
        %parallel_loop3A_328 = arith.andi %parallel_loop3A_321, %parallel_loop3A_327 : vector<16xi32>
        %parallel_loop3A_329 = tpu.bitcast %parallel_loop3A_328 : vector<16xi32> -> vector<16xf32>
        %parallel_loop3A_330 = arith.index_cast %parallel_loop3A_241 : i32 to index
        %parallel_loop3A_331 = arith.constant 64 : index
        %parallel_loop3A_332 = tpu.vector_load %arg12[%parallel_loop3A_330, %parallel_loop3A_331] {strides = array<i32>} : memref<80x128xf32, #tpu.memory_space<vmem>>, vector<1x16xf32>,
        %parallel_loop3A_333 = vector.shape_cast %parallel_loop3A_332 : vector<1x16xf32> to vector<16xf32>
        %parallel_loop3A_334 = arith.addf %parallel_loop3A_333, %parallel_loop3A_325 : vector<16xf32>
        %parallel_loop3A_335 = arith.constant 0.000000e+00 : f32
        %parallel_loop3A_336 = vector.broadcast %parallel_loop3A_335 : f32 to vector<16xf32>
        %parallel_loop3A_337 = arith.maximumf %parallel_loop3A_334, %parallel_loop3A_336 : vector<16xf32>
        %parallel_loop3A_338 = arith.index_cast %parallel_loop3A_241 : i32 to index
        %parallel_loop3A_339 = arith.constant 64 : index
        %parallel_loop3A_340 = tpu.vector_load %arg12[%parallel_loop3A_338, %parallel_loop3A_339] {strides = array<i32>} : memref<80x128xf32, #tpu.memory_space<vmem>>, vector<1x16xf32>,
        %parallel_loop3A_341 = vector.shape_cast %parallel_loop3A_340 : vector<1x16xf32> to vector<16xf32>
        %parallel_loop3A_342 = vector.shape_cast %parallel_loop3A_337 : vector<16xf32> to vector<1x16xf32>
        tpu.vector_store %arg12[%parallel_loop3A_338, %parallel_loop3A_339], %parallel_loop3A_342 {strides = array<i32>} : memref<80x128xf32, #tpu.memory_space<vmem>>, vector<1x16xf32>,
        %parallel_loop3A_343 = arith.index_cast %parallel_loop3A_241 : i32 to index
        %parallel_loop3A_344 = arith.constant 80 : index
        %parallel_loop3A_345 = tpu.vector_load %arg12[%parallel_loop3A_343, %parallel_loop3A_344] {strides = array<i32>} : memref<80x128xf32, #tpu.memory_space<vmem>>, vector<1x16xf32>,
        %parallel_loop3A_346 = vector.shape_cast %parallel_loop3A_345 : vector<1x16xf32> to vector<16xf32>
        %parallel_loop3A_347 = arith.addf %parallel_loop3A_346, %parallel_loop3A_329 : vector<16xf32>
        %parallel_loop3A_348 = arith.constant 0.000000e+00 : f32
        %parallel_loop3A_349 = vector.broadcast %parallel_loop3A_348 : f32 to vector<16xf32>
        %parallel_loop3A_350 = arith.maximumf %parallel_loop3A_347, %parallel_loop3A_349 : vector<16xf32>
        %parallel_loop3A_351 = arith.index_cast %parallel_loop3A_241 : i32 to index
        %parallel_loop3A_352 = arith.constant 80 : index
        %parallel_loop3A_353 = tpu.vector_load %arg12[%parallel_loop3A_351, %parallel_loop3A_352] {strides = array<i32>} : memref<80x128xf32, #tpu.memory_space<vmem>>, vector<1x16xf32>,
        %parallel_loop3A_354 = vector.shape_cast %parallel_loop3A_353 : vector<1x16xf32> to vector<16xf32>
        %parallel_loop3A_355 = vector.shape_cast %parallel_loop3A_350 : vector<16xf32> to vector<1x16xf32>
        tpu.vector_store %arg12[%parallel_loop3A_351, %parallel_loop3A_352], %parallel_loop3A_355 {strides = array<i32>} : memref<80x128xf32, #tpu.memory_space<vmem>>, vector<1x16xf32>,
        %parallel_loop3A_356 = arith.index_cast %parallel_loop3A_241 : i32 to index
        %parallel_loop3A_357 = arith.constant 48 : index
        %parallel_loop3A_358 = tpu.vector_load %arg14[%parallel_loop3A_356, %parallel_loop3A_357] {strides = array<i32>} : memref<80x64xi32, #tpu.memory_space<vmem>>, vector<1x16xi32>,
        %parallel_loop3A_359 = vector.shape_cast %parallel_loop3A_358 : vector<1x16xi32> to vector<16xi32>
        %parallel_loop3A_360 = arith.constant 16 : i32
        %parallel_loop3A_361 = vector.broadcast %parallel_loop3A_360 : i32 to vector<16xi32>
        %parallel_loop3A_362 = arith.shli %parallel_loop3A_359, %parallel_loop3A_361 : vector<16xi32>
        %parallel_loop3A_363 = tpu.bitcast %parallel_loop3A_362 : vector<16xi32> -> vector<16xf32>
        %parallel_loop3A_364 = arith.constant -65536 : i32
        %parallel_loop3A_365 = vector.broadcast %parallel_loop3A_364 : i32 to vector<16xi32>
        %parallel_loop3A_366 = arith.andi %parallel_loop3A_359, %parallel_loop3A_365 : vector<16xi32>
        %parallel_loop3A_367 = tpu.bitcast %parallel_loop3A_366 : vector<16xi32> -> vector<16xf32>
        %parallel_loop3A_368 = arith.index_cast %parallel_loop3A_241 : i32 to index
        %parallel_loop3A_369 = arith.constant 96 : index
        %parallel_loop3A_370 = tpu.vector_load %arg12[%parallel_loop3A_368, %parallel_loop3A_369] {strides = array<i32>} : memref<80x128xf32, #tpu.memory_space<vmem>>, vector<1x16xf32>,
        %parallel_loop3A_371 = vector.shape_cast %parallel_loop3A_370 : vector<1x16xf32> to vector<16xf32>
        %parallel_loop3A_372 = arith.addf %parallel_loop3A_371, %parallel_loop3A_363 : vector<16xf32>
        %parallel_loop3A_373 = arith.constant 0.000000e+00 : f32
        %parallel_loop3A_374 = vector.broadcast %parallel_loop3A_373 : f32 to vector<16xf32>
        %parallel_loop3A_375 = arith.maximumf %parallel_loop3A_372, %parallel_loop3A_374 : vector<16xf32>
        %parallel_loop3A_376 = arith.index_cast %parallel_loop3A_241 : i32 to index
        %parallel_loop3A_377 = arith.constant 96 : index
        %parallel_loop3A_378 = tpu.vector_load %arg12[%parallel_loop3A_376, %parallel_loop3A_377] {strides = array<i32>} : memref<80x128xf32, #tpu.memory_space<vmem>>, vector<1x16xf32>,
        %parallel_loop3A_379 = vector.shape_cast %parallel_loop3A_378 : vector<1x16xf32> to vector<16xf32>
        %parallel_loop3A_380 = vector.shape_cast %parallel_loop3A_375 : vector<16xf32> to vector<1x16xf32>
        tpu.vector_store %arg12[%parallel_loop3A_376, %parallel_loop3A_377], %parallel_loop3A_380 {strides = array<i32>} : memref<80x128xf32, #tpu.memory_space<vmem>>, vector<1x16xf32>,
        %parallel_loop3A_381 = arith.index_cast %parallel_loop3A_241 : i32 to index
        %parallel_loop3A_382 = arith.constant 112 : index
        %parallel_loop3A_383 = tpu.vector_load %arg12[%parallel_loop3A_381, %parallel_loop3A_382] {strides = array<i32>} : memref<80x128xf32, #tpu.memory_space<vmem>>, vector<1x16xf32>,
        %parallel_loop3A_384 = vector.shape_cast %parallel_loop3A_383 : vector<1x16xf32> to vector<16xf32>
        %parallel_loop3A_385 = arith.addf %parallel_loop3A_384, %parallel_loop3A_367 : vector<16xf32>
        %parallel_loop3A_386 = arith.constant 0.000000e+00 : f32
        %parallel_loop3A_387 = vector.broadcast %parallel_loop3A_386 : f32 to vector<16xf32>
        %parallel_loop3A_388 = arith.maximumf %parallel_loop3A_385, %parallel_loop3A_387 : vector<16xf32>
        %parallel_loop3A_389 = arith.index_cast %parallel_loop3A_241 : i32 to index
        %parallel_loop3A_390 = arith.constant 112 : index
        %parallel_loop3A_391 = tpu.vector_load %arg12[%parallel_loop3A_389, %parallel_loop3A_390] {strides = array<i32>} : memref<80x128xf32, #tpu.memory_space<vmem>>, vector<1x16xf32>,
        %parallel_loop3A_392 = vector.shape_cast %parallel_loop3A_391 : vector<1x16xf32> to vector<16xf32>
        %parallel_loop3A_393 = vector.shape_cast %parallel_loop3A_388 : vector<16xf32> to vector<1x16xf32>
        tpu.vector_store %arg12[%parallel_loop3A_389, %parallel_loop3A_390], %parallel_loop3A_393 {strides = array<i32>} : memref<80x128xf32, #tpu.memory_space<vmem>>, vector<1x16xf32>,
      } {sc.loop_unroll_factor = 4 : i64, sc.parallel_access}
      %dma_start3A_237 = arith.constant 0 : i32
      %dma_start3A_238 = arith.constant 0 : i32
      %dma_start3A_239 = tpu.memref_slice %arg15[%dma_start3A_237, %dma_start3A_238] : memref<10240x128xf32, #tpu.memory_space<vmem_shared>> -> memref<10240x128xf32, #tpu.memory_space<vmem_shared>>
      tpu.enqueue_indirect_dma source(%arg12 : memref<80x128xf32, #tpu.memory_space<vmem>>) target(%dma_start3A_239 : memref<10240x128xf32, #tpu.memory_space<vmem_shared>>) offsets(%arg10 : memref<80xi32, #tpu.memory_space<vmem>>) semaphore(%arg21 : memref<!tpu.dma_semaphore, #tpu.memory_space<semaphore_mem>>) {add = true}
      %scan3A_240 = arith.constant 0 : i32
      scf.yield %scan3A_240 : i32
    }
    %scan3A_69 = arith.constant 62 : i32
    %add3A_70 = arith.constant 124 : i32
    %add3A_71 = arith.constant 1 : i32
    %add3A_72 = arith.addi %add3A_70, %add3A_71 : i32
    %min3A = arith.constant 124 : i32
    %min3A_73 = arith.minsi %add3A_72, %min3A : i32
    %add3A_74 = arith.constant 124 : i32
    %add3A_75 = arith.constant 2 : i32
    %add3A_76 = arith.addi %add3A_74, %add3A_75 : i32
    %min3A_77 = arith.constant 124 : i32
    %min3A_78 = arith.minsi %add3A_76, %min3A_77 : i32
    %dma_wait3A_79 = tpu.memref_slice %arg3[%mul3A_2] : memref<320000xi32, #tpu.memory_space<hbm>> -> memref<80xi32, #tpu.memory_space<hbm>>
    %dma_wait3A_80 = tpu.memref_slice %arg3[%mul3A_2] : memref<320000xi32, #tpu.memory_space<hbm>> -> memref<80xi32, #tpu.memory_space<hbm>>
    tpu.wait_dma2 semaphore(%arg23 : memref<!tpu.dma_semaphore, #tpu.memory_space<semaphore_mem>>) src(%dma_wait3A_80 : memref<80xi32, #tpu.memory_space<hbm>>) dst(%arg8 : memref<80xi32, #tpu.memory_space<vmem>>)
    %dma_start3A_81 = arith.constant 0 : i32
    %dma_start3A_82 = arith.constant 0 : i32
    %dma_start3A_83 = tpu.memref_slice %arg2[%dma_start3A_81, %dma_start3A_82] : memref<10000x64xi32, #tpu.memory_space<hbm>> -> memref<10000x64xi32, #tpu.memory_space<hbm>>
    tpu.enqueue_indirect_dma source(%dma_start3A_83 : memref<10000x64xi32, #tpu.memory_space<hbm>>) target(%arg14 : memref<80x64xi32, #tpu.memory_space<vmem>>) offsets(%arg8 : memref<80xi32, #tpu.memory_space<vmem>>) semaphore(%arg17 : memref<!tpu.dma_semaphore, #tpu.memory_space<semaphore_mem>>)
    %dma_wait3A_84 = arith.constant 0 : i32
    %dma_wait3A_85 = arith.constant 0 : i32
    %dma_wait3A_86 = tpu.memref_slice %arg15[%dma_wait3A_84, %dma_wait3A_85] : memref<10240x128xf32, #tpu.memory_space<vmem_shared>> -> memref<10240x128xf32, #tpu.memory_space<vmem_shared>>
    tpu.wait_indirect_dma semaphore(%arg21 : memref<!tpu.dma_semaphore, #tpu.memory_space<semaphore_mem>>) src(%arg12 : memref<80x128xf32, #tpu.memory_space<vmem>>) dst(%dma_wait3A_86 : memref<10240x128xf32, #tpu.memory_space<vmem_shared>>)
    %mul3A_87 = arith.constant 80 : i32
    %mul3A_88 = arith.muli %min3A_73, %mul3A_87 : i32
    %add3A_89 = arith.addi %mul3A_2, %mul3A_88 : i32
    %dma_start3A_90 = tpu.memref_slice %arg4[%add3A_89] : memref<320000xi32, #tpu.memory_space<hbm>> -> memref<80xi32, #tpu.memory_space<hbm>>
    %dma_start3A_91 = tpu.memref_slice %arg4[%add3A_89] : memref<320000xi32, #tpu.memory_space<hbm>> -> memref<80xi32, #tpu.memory_space<hbm>>
    tpu.enqueue_dma source(%dma_start3A_91 : memref<80xi32, #tpu.memory_space<hbm>>) target(%arg10 : memref<80xi32, #tpu.memory_space<vmem>>) target_semaphore(%arg25 : memref<!tpu.dma_semaphore, #tpu.memory_space<semaphore_mem>>)
    %mul3A_92 = arith.constant 80 : i32
    %mul3A_93 = arith.muli %min3A_73, %mul3A_92 : i32
    %add3A_94 = arith.addi %mul3A_2, %mul3A_93 : i32
    %dma_start3A_95 = arith.constant 0 : i32
    %dma_start3A_96 = tpu.memref_slice %arg5[%add3A_94, %dma_start3A_95] : memref<320000x128xf32, #tpu.memory_space<hbm>> -> memref<80x128xf32, #tpu.memory_space<hbm>>
    %dma_start3A_97 = arith.constant 0 : i32
    %dma_start3A_98 = tpu.memref_slice %arg5[%add3A_94, %dma_start3A_97] : memref<320000x128xf32, #tpu.memory_space<hbm>> -> memref<80x128xf32, #tpu.memory_space<hbm>>
    tpu.enqueue_dma source(%dma_start3A_98 : memref<80x128xf32, #tpu.memory_space<hbm>>) target(%arg12 : memref<80x128xf32, #tpu.memory_space<vmem>>) target_semaphore(%arg19 : memref<!tpu.dma_semaphore, #tpu.memory_space<semaphore_mem>>)
    %dma_wait3A_99 = arith.constant 0 : i32
    %dma_wait3A_100 = arith.constant 0 : i32
    %dma_wait3A_101 = tpu.memref_slice %arg2[%dma_wait3A_99, %dma_wait3A_100] : memref<10000x64xi32, #tpu.memory_space<hbm>> -> memref<10000x64xi32, #tpu.memory_space<hbm>>
    tpu.wait_indirect_dma semaphore(%arg16 : memref<!tpu.dma_semaphore, #tpu.memory_space<semaphore_mem>>) src(%dma_wait3A_101 : memref<10000x64xi32, #tpu.memory_space<hbm>>) dst(%arg13 : memref<80x64xi32, #tpu.memory_space<vmem>>)
    %dma_wait3A_102 = arith.constant 0 : i32
    %dma_wait3A_103 = tpu.memref_slice %arg5[%mul3A_2, %dma_wait3A_102] : memref<320000x128xf32, #tpu.memory_space<hbm>> -> memref<80x128xf32, #tpu.memory_space<hbm>>
    %dma_wait3A_104 = arith.constant 0 : i32
    %dma_wait3A_105 = tpu.memref_slice %arg5[%mul3A_2, %dma_wait3A_104] : memref<320000x128xf32, #tpu.memory_space<hbm>> -> memref<80x128xf32, #tpu.memory_space<hbm>>
    tpu.wait_dma2 semaphore(%arg18 : memref<!tpu.dma_semaphore, #tpu.memory_space<semaphore_mem>>) src(%dma_wait3A_105 : memref<80x128xf32, #tpu.memory_space<hbm>>) dst(%arg11 : memref<80x128xf32, #tpu.memory_space<vmem>>)
    %mul3A_106 = arith.constant 80 : i32
    %mul3A_107 = arith.muli %min3A_78, %mul3A_106 : i32
    %add3A_108 = arith.addi %mul3A_2, %mul3A_107 : i32
    %dma_start3A_109 = tpu.memref_slice %arg3[%add3A_108] : memref<320000xi32, #tpu.memory_space<hbm>> -> memref<80xi32, #tpu.memory_space<hbm>>
    %dma_start3A_110 = tpu.memref_slice %arg3[%add3A_108] : memref<320000xi32, #tpu.memory_space<hbm>> -> memref<80xi32, #tpu.memory_space<hbm>>
    tpu.enqueue_dma source(%dma_start3A_110 : memref<80xi32, #tpu.memory_space<hbm>>) target(%arg7 : memref<80xi32, #tpu.memory_space<vmem>>) target_semaphore(%arg22 : memref<!tpu.dma_semaphore, #tpu.memory_space<semaphore_mem>>)
    %dma_wait3A_111 = tpu.memref_slice %arg4[%mul3A_2] : memref<320000xi32, #tpu.memory_space<hbm>> -> memref<80xi32, #tpu.memory_space<hbm>>
    %dma_wait3A_112 = tpu.memref_slice %arg4[%mul3A_2] : memref<320000xi32, #tpu.memory_space<hbm>> -> memref<80xi32, #tpu.memory_space<hbm>>
    tpu.wait_dma2 semaphore(%arg24 : memref<!tpu.dma_semaphore, #tpu.memory_space<semaphore_mem>>) src(%dma_wait3A_112 : memref<80xi32, #tpu.memory_space<hbm>>) dst(%arg9 : memref<80xi32, #tpu.memory_space<vmem>>)
    %parallel_loop3A = arith.constant 0 : i32
    %parallel_loop3A_113 = arith.constant 80 : i32
    %parallel_loop3A_114 = arith.constant 1 : i32
    scf.for %parallel_loop3A_137 = %parallel_loop3A to %parallel_loop3A_113 step %parallel_loop3A_114  : i32 {
      %parallel_loop3A_138 = arith.index_cast %parallel_loop3A_137 : i32 to index
      %parallel_loop3A_139 = arith.constant 0 : index
      %parallel_loop3A_140 = tpu.vector_load %arg13[%parallel_loop3A_138, %parallel_loop3A_139] {strides = array<i32>} : memref<80x64xi32, #tpu.memory_space<vmem>>, vector<1x16xi32>,
      %parallel_loop3A_141 = vector.shape_cast %parallel_loop3A_140 : vector<1x16xi32> to vector<16xi32>
      %parallel_loop3A_142 = arith.constant 16 : i32
      %parallel_loop3A_143 = vector.broadcast %parallel_loop3A_142 : i32 to vector<16xi32>
      %parallel_loop3A_144 = arith.shli %parallel_loop3A_141, %parallel_loop3A_143 : vector<16xi32>
      %parallel_loop3A_145 = tpu.bitcast %parallel_loop3A_144 : vector<16xi32> -> vector<16xf32>
      %parallel_loop3A_146 = arith.constant -65536 : i32
      %parallel_loop3A_147 = vector.broadcast %parallel_loop3A_146 : i32 to vector<16xi32>
      %parallel_loop3A_148 = arith.andi %parallel_loop3A_141, %parallel_loop3A_147 : vector<16xi32>
      %parallel_loop3A_149 = tpu.bitcast %parallel_loop3A_148 : vector<16xi32> -> vector<16xf32>
      %parallel_loop3A_150 = arith.index_cast %parallel_loop3A_137 : i32 to index
      %parallel_loop3A_151 = arith.constant 0 : index
      %parallel_loop3A_152 = tpu.vector_load %arg11[%parallel_loop3A_150, %parallel_loop3A_151] {strides = array<i32>} : memref<80x128xf32, #tpu.memory_space<vmem>>, vector<1x16xf32>,
      %parallel_loop3A_153 = vector.shape_cast %parallel_loop3A_152 : vector<1x16xf32> to vector<16xf32>
      %parallel_loop3A_154 = arith.addf %parallel_loop3A_153, %parallel_loop3A_145 : vector<16xf32>
      %parallel_loop3A_155 = arith.constant 0.000000e+00 : f32
      %parallel_loop3A_156 = vector.broadcast %parallel_loop3A_155 : f32 to vector<16xf32>
      %parallel_loop3A_157 = arith.maximumf %parallel_loop3A_154, %parallel_loop3A_156 : vector<16xf32>
      %parallel_loop3A_158 = arith.index_cast %parallel_loop3A_137 : i32 to index
      %parallel_loop3A_159 = arith.constant 0 : index
      %parallel_loop3A_160 = tpu.vector_load %arg11[%parallel_loop3A_158, %parallel_loop3A_159] {strides = array<i32>} : memref<80x128xf32, #tpu.memory_space<vmem>>, vector<1x16xf32>,
      %parallel_loop3A_161 = vector.shape_cast %parallel_loop3A_160 : vector<1x16xf32> to vector<16xf32>
      %parallel_loop3A_162 = vector.shape_cast %parallel_loop3A_157 : vector<16xf32> to vector<1x16xf32>
      tpu.vector_store %arg11[%parallel_loop3A_158, %parallel_loop3A_159], %parallel_loop3A_162 {strides = array<i32>} : memref<80x128xf32, #tpu.memory_space<vmem>>, vector<1x16xf32>,
      %parallel_loop3A_163 = arith.index_cast %parallel_loop3A_137 : i32 to index
      %parallel_loop3A_164 = arith.constant 16 : index
      %parallel_loop3A_165 = tpu.vector_load %arg11[%parallel_loop3A_163, %parallel_loop3A_164] {strides = array<i32>} : memref<80x128xf32, #tpu.memory_space<vmem>>, vector<1x16xf32>,
      %parallel_loop3A_166 = vector.shape_cast %parallel_loop3A_165 : vector<1x16xf32> to vector<16xf32>
      %parallel_loop3A_167 = arith.addf %parallel_loop3A_166, %parallel_loop3A_149 : vector<16xf32>
      %parallel_loop3A_168 = arith.constant 0.000000e+00 : f32
      %parallel_loop3A_169 = vector.broadcast %parallel_loop3A_168 : f32 to vector<16xf32>
      %parallel_loop3A_170 = arith.maximumf %parallel_loop3A_167, %parallel_loop3A_169 : vector<16xf32>
      %parallel_loop3A_171 = arith.index_cast %parallel_loop3A_137 : i32 to index
      %parallel_loop3A_172 = arith.constant 16 : index
      %parallel_loop3A_173 = tpu.vector_load %arg11[%parallel_loop3A_171, %parallel_loop3A_172] {strides = array<i32>} : memref<80x128xf32, #tpu.memory_space<vmem>>, vector<1x16xf32>,
      %parallel_loop3A_174 = vector.shape_cast %parallel_loop3A_173 : vector<1x16xf32> to vector<16xf32>
      %parallel_loop3A_175 = vector.shape_cast %parallel_loop3A_170 : vector<16xf32> to vector<1x16xf32>
      tpu.vector_store %arg11[%parallel_loop3A_171, %parallel_loop3A_172], %parallel_loop3A_175 {strides = array<i32>} : memref<80x128xf32, #tpu.memory_space<vmem>>, vector<1x16xf32>,
      %parallel_loop3A_176 = arith.index_cast %parallel_loop3A_137 : i32 to index
      %parallel_loop3A_177 = arith.constant 16 : index
      %parallel_loop3A_178 = tpu.vector_load %arg13[%parallel_loop3A_176, %parallel_loop3A_177] {strides = array<i32>} : memref<80x64xi32, #tpu.memory_space<vmem>>, vector<1x16xi32>,
      %parallel_loop3A_179 = vector.shape_cast %parallel_loop3A_178 : vector<1x16xi32> to vector<16xi32>
      %parallel_loop3A_180 = arith.constant 16 : i32
      %parallel_loop3A_181 = vector.broadcast %parallel_loop3A_180 : i32 to vector<16xi32>
      %parallel_loop3A_182 = arith.shli %parallel_loop3A_179, %parallel_loop3A_181 : vector<16xi32>
      %parallel_loop3A_183 = tpu.bitcast %parallel_loop3A_182 : vector<16xi32> -> vector<16xf32>
      %parallel_loop3A_184 = arith.constant -65536 : i32
      %parallel_loop3A_185 = vector.broadcast %parallel_loop3A_184 : i32 to vector<16xi32>
      %parallel_loop3A_186 = arith.andi %parallel_loop3A_179, %parallel_loop3A_185 : vector<16xi32>
      %parallel_loop3A_187 = tpu.bitcast %parallel_loop3A_186 : vector<16xi32> -> vector<16xf32>
      %parallel_loop3A_188 = arith.index_cast %parallel_loop3A_137 : i32 to index
      %parallel_loop3A_189 = arith.constant 32 : index
      %parallel_loop3A_190 = tpu.vector_load %arg11[%parallel_loop3A_188, %parallel_loop3A_189] {strides = array<i32>} : memref<80x128xf32, #tpu.memory_space<vmem>>, vector<1x16xf32>,
      %parallel_loop3A_191 = vector.shape_cast %parallel_loop3A_190 : vector<1x16xf32> to vector<16xf32>
      %parallel_loop3A_192 = arith.addf %parallel_loop3A_191, %parallel_loop3A_183 : vector<16xf32>
      %parallel_loop3A_193 = arith.constant 0.000000e+00 : f32
      %parallel_loop3A_194 = vector.broadcast %parallel_loop3A_193 : f32 to vector<16xf32>
      %parallel_loop3A_195 = arith.maximumf %parallel_loop3A_192, %parallel_loop3A_194 : vector<16xf32>
      %parallel_loop3A_196 = arith.index_cast %parallel_loop3A_137 : i32 to index
      %parallel_loop3A_197 = arith.constant 32 : index
      %parallel_loop3A_198 = tpu.vector_load %arg11[%parallel_loop3A_196, %parallel_loop3A_197] {strides = array<i32>} : memref<80x128xf32, #tpu.memory_space<vmem>>, vector<1x16xf32>,
      %parallel_loop3A_199 = vector.shape_cast %parallel_loop3A_198 : vector<1x16xf32> to vector<16xf32>
      %parallel_loop3A_200 = vector.shape_cast %parallel_loop3A_195 : vector<16xf32> to vector<1x16xf32>
      tpu.vector_store %arg11[%parallel_loop3A_196, %parallel_loop3A_197], %parallel_loop3A_200 {strides = array<i32>} : memref<80x128xf32, #tpu.memory_space<vmem>>, vector<1x16xf32>,
      %parallel_loop3A_201 = arith.index_cast %parallel_loop3A_137 : i32 to index
      %parallel_loop3A_202 = arith.constant 48 : index
      %parallel_loop3A_203 = tpu.vector_load %arg11[%parallel_loop3A_201, %parallel_loop3A_202] {strides = array<i32>} : memref<80x128xf32, #tpu.memory_space<vmem>>, vector<1x16xf32>,
      %parallel_loop3A_204 = vector.shape_cast %parallel_loop3A_203 : vector<1x16xf32> to vector<16xf32>
      %parallel_loop3A_205 = arith.addf %parallel_loop3A_204, %parallel_loop3A_187 : vector<16xf32>
      %parallel_loop3A_206 = arith.constant 0.000000e+00 : f32
      %parallel_loop3A_207 = vector.broadcast %parallel_loop3A_206 : f32 to vector<16xf32>
      %parallel_loop3A_208 = arith.maximumf %parallel_loop3A_205, %parallel_loop3A_207 : vector<16xf32>
      %parallel_loop3A_209 = arith.index_cast %parallel_loop3A_137 : i32 to index
      %parallel_loop3A_210 = arith.constant 48 : index
      %parallel_loop3A_211 = tpu.vector_load %arg11[%parallel_loop3A_209, %parallel_loop3A_210] {strides = array<i32>} : memref<80x128xf32, #tpu.memory_space<vmem>>, vector<1x16xf32>,
      %parallel_loop3A_212 = vector.shape_cast %parallel_loop3A_211 : vector<1x16xf32> to vector<16xf32>
      %parallel_loop3A_213 = vector.shape_cast %parallel_loop3A_208 : vector<16xf32> to vector<1x16xf32>
      tpu.vector_store %arg11[%parallel_loop3A_209, %parallel_loop3A_210], %parallel_loop3A_213 {strides = array<i32>} : memref<80x128xf32, #tpu.memory_space<vmem>>, vector<1x16xf32>,
      %parallel_loop3A_214 = arith.index_cast %parallel_loop3A_137 : i32 to index
      %parallel_loop3A_215 = arith.constant 32 : index
      %parallel_loop3A_216 = tpu.vector_load %arg13[%parallel_loop3A_214, %parallel_loop3A_215] {strides = array<i32>} : memref<80x64xi32, #tpu.memory_space<vmem>>, vector<1x16xi32>,
      %parallel_loop3A_217 = vector.shape_cast %parallel_loop3A_216 : vector<1x16xi32> to vector<16xi32>
      %parallel_loop3A_218 = arith.constant 16 : i32
      %parallel_loop3A_219 = vector.broadcast %parallel_loop3A_218 : i32 to vector<16xi32>
      %parallel_loop3A_220 = arith.shli %parallel_loop3A_217, %parallel_loop3A_219 : vector<16xi32>
      %parallel_loop3A_221 = tpu.bitcast %parallel_loop3A_220 : vector<16xi32> -> vector<16xf32>
      %parallel_loop3A_222 = arith.constant -65536 : i32
      %parallel_loop3A_223 = vector.broadcast %parallel_loop3A_222 : i32 to vector<16xi32>
      %parallel_loop3A_224 = arith.andi %parallel_loop3A_217, %parallel_loop3A_223 : vector<16xi32>
      %parallel_loop3A_225 = tpu.bitcast %parallel_loop3A_224 : vector<16xi32> -> vector<16xf32>
      %parallel_loop3A_226 = arith.index_cast %parallel_loop3A_137 : i32 to index
      %parallel_loop3A_227 = arith.constant 64 : index
      %parallel_loop3A_228 = tpu.vector_load %arg11[%parallel_loop3A_226, %parallel_loop3A_227] {strides = array<i32>} : memref<80x128xf32, #tpu.memory_space<vmem>>, vector<1x16xf32>,
      %parallel_loop3A_229 = vector.shape_cast %parallel_loop3A_228 : vector<1x16xf32> to vector<16xf32>
      %parallel_loop3A_230 = arith.addf %parallel_loop3A_229, %parallel_loop3A_221 : vector<16xf32>
      %parallel_loop3A_231 = arith.constant 0.000000e+00 : f32
      %parallel_loop3A_232 = vector.broadcast %parallel_loop3A_231 : f32 to vector<16xf32>
      %parallel_loop3A_233 = arith.maximumf %parallel_loop3A_230, %parallel_loop3A_232 : vector<16xf32>
      %parallel_loop3A_234 = arith.index_cast %parallel_loop3A_137 : i32 to index
      %parallel_loop3A_235 = arith.constant 64 : index
      %parallel_loop3A_236 = tpu.vector_load %arg11[%parallel_loop3A_234, %parallel_loop3A_235] {strides = array<i32>} : memref<80x128xf32, #tpu.memory_space<vmem>>, vector<1x16xf32>,
      %parallel_loop3A_237 = vector.shape_cast %parallel_loop3A_236 : vector<1x16xf32> to vector<16xf32>
      %parallel_loop3A_238 = vector.shape_cast %parallel_loop3A_233 : vector<16xf32> to vector<1x16xf32>
      tpu.vector_store %arg11[%parallel_loop3A_234, %parallel_loop3A_235], %parallel_loop3A_238 {strides = array<i32>} : memref<80x128xf32, #tpu.memory_space<vmem>>, vector<1x16xf32>,
      %parallel_loop3A_239 = arith.index_cast %parallel_loop3A_137 : i32 to index
      %parallel_loop3A_240 = arith.constant 80 : index
      %parallel_loop3A_241 = tpu.vector_load %arg11[%parallel_loop3A_239, %parallel_loop3A_240] {strides = array<i32>} : memref<80x128xf32, #tpu.memory_space<vmem>>, vector<1x16xf32>,
      %parallel_loop3A_242 = vector.shape_cast %parallel_loop3A_241 : vector<1x16xf32> to vector<16xf32>
      %parallel_loop3A_243 = arith.addf %parallel_loop3A_242, %parallel_loop3A_225 : vector<16xf32>
      %parallel_loop3A_244 = arith.constant 0.000000e+00 : f32
      %parallel_loop3A_245 = vector.broadcast %parallel_loop3A_244 : f32 to vector<16xf32>
      %parallel_loop3A_246 = arith.maximumf %parallel_loop3A_243, %parallel_loop3A_245 : vector<16xf32>
      %parallel_loop3A_247 = arith.index_cast %parallel_loop3A_137 : i32 to index
      %parallel_loop3A_248 = arith.constant 80 : index
      %parallel_loop3A_249 = tpu.vector_load %arg11[%parallel_loop3A_247, %parallel_loop3A_248] {strides = array<i32>} : memref<80x128xf32, #tpu.memory_space<vmem>>, vector<1x16xf32>,
      %parallel_loop3A_250 = vector.shape_cast %parallel_loop3A_249 : vector<1x16xf32> to vector<16xf32>
      %parallel_loop3A_251 = vector.shape_cast %parallel_loop3A_246 : vector<16xf32> to vector<1x16xf32>
      tpu.vector_store %arg11[%parallel_loop3A_247, %parallel_loop3A_248], %parallel_loop3A_251 {strides = array<i32>} : memref<80x128xf32, #tpu.memory_space<vmem>>, vector<1x16xf32>,
      %parallel_loop3A_252 = arith.index_cast %parallel_loop3A_137 : i32 to index
      %parallel_loop3A_253 = arith.constant 48 : index
      %parallel_loop3A_254 = tpu.vector_load %arg13[%parallel_loop3A_252, %parallel_loop3A_253] {strides = array<i32>} : memref<80x64xi32, #tpu.memory_space<vmem>>, vector<1x16xi32>,
      %parallel_loop3A_255 = vector.shape_cast %parallel_loop3A_254 : vector<1x16xi32> to vector<16xi32>
      %parallel_loop3A_256 = arith.constant 16 : i32
      %parallel_loop3A_257 = vector.broadcast %parallel_loop3A_256 : i32 to vector<16xi32>
      %parallel_loop3A_258 = arith.shli %parallel_loop3A_255, %parallel_loop3A_257 : vector<16xi32>
      %parallel_loop3A_259 = tpu.bitcast %parallel_loop3A_258 : vector<16xi32> -> vector<16xf32>
      %parallel_loop3A_260 = arith.constant -65536 : i32
      %parallel_loop3A_261 = vector.broadcast %parallel_loop3A_260 : i32 to vector<16xi32>
      %parallel_loop3A_262 = arith.andi %parallel_loop3A_255, %parallel_loop3A_261 : vector<16xi32>
      %parallel_loop3A_263 = tpu.bitcast %parallel_loop3A_262 : vector<16xi32> -> vector<16xf32>
      %parallel_loop3A_264 = arith.index_cast %parallel_loop3A_137 : i32 to index
      %parallel_loop3A_265 = arith.constant 96 : index
      %parallel_loop3A_266 = tpu.vector_load %arg11[%parallel_loop3A_264, %parallel_loop3A_265] {strides = array<i32>} : memref<80x128xf32, #tpu.memory_space<vmem>>, vector<1x16xf32>,
      %parallel_loop3A_267 = vector.shape_cast %parallel_loop3A_266 : vector<1x16xf32> to vector<16xf32>
      %parallel_loop3A_268 = arith.addf %parallel_loop3A_267, %parallel_loop3A_259 : vector<16xf32>
      %parallel_loop3A_269 = arith.constant 0.000000e+00 : f32
      %parallel_loop3A_270 = vector.broadcast %parallel_loop3A_269 : f32 to vector<16xf32>
      %parallel_loop3A_271 = arith.maximumf %parallel_loop3A_268, %parallel_loop3A_270 : vector<16xf32>
      %parallel_loop3A_272 = arith.index_cast %parallel_loop3A_137 : i32 to index
      %parallel_loop3A_273 = arith.constant 96 : index
      %parallel_loop3A_274 = tpu.vector_load %arg11[%parallel_loop3A_272, %parallel_loop3A_273] {strides = array<i32>} : memref<80x128xf32, #tpu.memory_space<vmem>>, vector<1x16xf32>,
      %parallel_loop3A_275 = vector.shape_cast %parallel_loop3A_274 : vector<1x16xf32> to vector<16xf32>
      %parallel_loop3A_276 = vector.shape_cast %parallel_loop3A_271 : vector<16xf32> to vector<1x16xf32>
      tpu.vector_store %arg11[%parallel_loop3A_272, %parallel_loop3A_273], %parallel_loop3A_276 {strides = array<i32>} : memref<80x128xf32, #tpu.memory_space<vmem>>, vector<1x16xf32>,
      %parallel_loop3A_277 = arith.index_cast %parallel_loop3A_137 : i32 to index
      %parallel_loop3A_278 = arith.constant 112 : index
      %parallel_loop3A_279 = tpu.vector_load %arg11[%parallel_loop3A_277, %parallel_loop3A_278] {strides = array<i32>} : memref<80x128xf32, #tpu.memory_space<vmem>>, vector<1x16xf32>,
      %parallel_loop3A_280 = vector.shape_cast %parallel_loop3A_279 : vector<1x16xf32> to vector<16xf32>
      %parallel_loop3A_281 = arith.addf %parallel_loop3A_280, %parallel_loop3A_263 : vector<16xf32>
      %parallel_loop3A_282 = arith.constant 0.000000e+00 : f32
      %parallel_loop3A_283 = vector.broadcast %parallel_loop3A_282 : f32 to vector<16xf32>
      %parallel_loop3A_284 = arith.maximumf %parallel_loop3A_281, %parallel_loop3A_283 : vector<16xf32>
      %parallel_loop3A_285 = arith.index_cast %parallel_loop3A_137 : i32 to index
      %parallel_loop3A_286 = arith.constant 112 : index
      %parallel_loop3A_287 = tpu.vector_load %arg11[%parallel_loop3A_285, %parallel_loop3A_286] {strides = array<i32>} : memref<80x128xf32, #tpu.memory_space<vmem>>, vector<1x16xf32>,
      %parallel_loop3A_288 = vector.shape_cast %parallel_loop3A_287 : vector<1x16xf32> to vector<16xf32>
      %parallel_loop3A_289 = vector.shape_cast %parallel_loop3A_284 : vector<16xf32> to vector<1x16xf32>
      tpu.vector_store %arg11[%parallel_loop3A_285, %parallel_loop3A_286], %parallel_loop3A_289 {strides = array<i32>} : memref<80x128xf32, #tpu.memory_space<vmem>>, vector<1x16xf32>,
    } {sc.loop_unroll_factor = 4 : i64, sc.parallel_access}
    %dma_start3A_115 = arith.constant 0 : i32
    %dma_start3A_116 = arith.constant 0 : i32
    %dma_start3A_117 = tpu.memref_slice %arg15[%dma_start3A_115, %dma_start3A_116] : memref<10240x128xf32, #tpu.memory_space<vmem_shared>> -> memref<10240x128xf32, #tpu.memory_space<vmem_shared>>
    tpu.enqueue_indirect_dma source(%arg11 : memref<80x128xf32, #tpu.memory_space<vmem>>) target(%dma_start3A_117 : memref<10240x128xf32, #tpu.memory_space<vmem_shared>>) offsets(%arg9 : memref<80xi32, #tpu.memory_space<vmem>>) semaphore(%arg20 : memref<!tpu.dma_semaphore, #tpu.memory_space<semaphore_mem>>) {add = true}
    %dma_wait3A_118 = arith.constant 0 : i32
    %dma_wait3A_119 = arith.constant 0 : i32
    %dma_wait3A_120 = tpu.memref_slice %arg15[%dma_wait3A_118, %dma_wait3A_119] : memref<10240x128xf32, #tpu.memory_space<vmem_shared>> -> memref<10240x128xf32, #tpu.memory_space<vmem_shared>>
    tpu.wait_indirect_dma semaphore(%arg20 : memref<!tpu.dma_semaphore, #tpu.memory_space<semaphore_mem>>) src(%arg11 : memref<80x128xf32, #tpu.memory_space<vmem>>) dst(%dma_wait3A_120 : memref<10240x128xf32, #tpu.memory_space<vmem_shared>>)
    %dma_wait3A_121 = arith.constant 0 : i32
    %dma_wait3A_122 = arith.constant 0 : i32
    %dma_wait3A_123 = tpu.memref_slice %arg2[%dma_wait3A_121, %dma_wait3A_122] : memref<10000x64xi32, #tpu.memory_space<hbm>> -> memref<10000x64xi32, #tpu.memory_space<hbm>>
    tpu.wait_indirect_dma semaphore(%arg17 : memref<!tpu.dma_semaphore, #tpu.memory_space<semaphore_mem>>) src(%dma_wait3A_123 : memref<10000x64xi32, #tpu.memory_space<hbm>>) dst(%arg14 : memref<80x64xi32, #tpu.memory_space<vmem>>)
    %dma_wait3A_124 = arith.constant 0 : i32
    %dma_wait3A_125 = tpu.memref_slice %arg5[%mul3A_2, %dma_wait3A_124] : memref<320000x128xf32, #tpu.memory_space<hbm>> -> memref<80x128xf32, #tpu.memory_space<hbm>>
    %dma_wait3A_126 = arith.constant 0 : i32
    %dma_wait3A_127 = tpu.memref_slice %arg5[%mul3A_2, %dma_wait3A_126] : memref<320000x128xf32, #tpu.memory_space<hbm>> -> memref<80x128xf32, #tpu.memory_space<hbm>>
    tpu.wait_dma2 semaphore(%arg19 : memref<!tpu.dma_semaphore, #tpu.memory_space<semaphore_mem>>) src(%dma_wait3A_127 : memref<80x128xf32, #tpu.memory_space<hbm>>) dst(%arg12 : memref<80x128xf32, #tpu.memory_space<vmem>>)
    %dma_wait3A_128 = tpu.memref_slice %arg3[%mul3A_2] : memref<320000xi32, #tpu.memory_space<hbm>> -> memref<80xi32, #tpu.memory_space<hbm>>
    %dma_wait3A_129 = tpu.memref_slice %arg3[%mul3A_2] : memref<320000xi32, #tpu.memory_space<hbm>> -> memref<80xi32, #tpu.memory_space<hbm>>
    tpu.wait_dma2 semaphore(%arg22 : memref<!tpu.dma_semaphore, #tpu.memory_space<semaphore_mem>>) src(%dma_wait3A_129 : memref<80xi32, #tpu.memory_space<hbm>>) dst(%arg7 : memref<80xi32, #tpu.memory_space<vmem>>)
    %dma_wait3A_130 = tpu.memref_slice %arg4[%mul3A_2] : memref<320000xi32, #tpu.memory_space<hbm>> -> memref<80xi32, #tpu.memory_space<hbm>>
    %dma_wait3A_131 = tpu.memref_slice %arg4[%mul3A_2] : memref<320000xi32, #tpu.memory_space<hbm>> -> memref<80xi32, #tpu.memory_space<hbm>>
    tpu.wait_dma2 semaphore(%arg25 : memref<!tpu.dma_semaphore, #tpu.memory_space<semaphore_mem>>) src(%dma_wait3A_131 : memref<80xi32, #tpu.memory_space<hbm>>) dst(%arg10 : memref<80xi32, #tpu.memory_space<vmem>>)
    %barrier3A_132 = arith.constant 0 : index
    tpu.barrier barrier_id(%barrier3A_132)
    %mul3A_133 = arith.constant 640 : i32
    %mul3A_134 = arith.muli %arg1, %mul3A_133 : i32
    %mul3A_135 = arith.constant 640 : i32
    %mul3A_136 = arith.muli %arg1, %mul3A_135 : i32
    "tpu.region"() ({
      %run_scoped3A = tpu.sem_alloc : memref<!tpu.dma_semaphore, #tpu.memory_space<semaphore_mem>>
      %dma_start3A_137 = arith.constant 0 : i32
      %dma_start3A_138 = tpu.memref_slice %arg6[%arg0, %mul3A_136, %dma_start3A_137] : memref<2x10240x128xf32, #tpu.memory_space<hbm>> -> memref<1x640x128xf32, #tpu.memory_space<hbm>>
      %dma_start3A_139 = tpu.memref_squeeze %dma_start3A_138 : memref<1x640x128xf32, #tpu.memory_space<hbm>> -> memref<640x128xf32, #tpu.memory_space<hbm>>
      %dma_start3A_140 = arith.constant 0 : i32
      %dma_start3A_141 = tpu.memref_slice %arg15[%mul3A_134, %dma_start3A_140] : memref<10240x128xf32, #tpu.memory_space<vmem_shared>> -> memref<640x128xf32, #tpu.memory_space<vmem_shared>>
      tpu.enqueue_dma source(%dma_start3A_141 : memref<640x128xf32, #tpu.memory_space<vmem_shared>>) target(%dma_start3A_139 : memref<640x128xf32, #tpu.memory_space<hbm>>) target_semaphore(%run_scoped3A : memref<!tpu.dma_semaphore, #tpu.memory_space<semaphore_mem>>)
      %dma_wait3A_142 = arith.constant 0 : i32
      %dma_wait3A_143 = tpu.memref_slice %arg6[%arg0, %mul3A_136, %dma_wait3A_142] : memref<2x10240x128xf32, #tpu.memory_space<hbm>> -> memref<1x640x128xf32, #tpu.memory_space<hbm>>
      %dma_wait3A_144 = tpu.memref_squeeze %dma_wait3A_143 : memref<1x640x128xf32, #tpu.memory_space<hbm>> -> memref<640x128xf32, #tpu.memory_space<hbm>>
      %dma_wait3A_145 = arith.constant 0 : i32
      %dma_wait3A_146 = tpu.memref_slice %arg15[%mul3A_134, %dma_wait3A_145] : memref<10240x128xf32, #tpu.memory_space<vmem_shared>> -> memref<640x128xf32, #tpu.memory_space<vmem_shared>>
      tpu.wait_dma2 semaphore(%run_scoped3A : memref<!tpu.dma_semaphore, #tpu.memory_space<semaphore_mem>>) src(%dma_wait3A_146 : memref<640x128xf32, #tpu.memory_space<vmem_shared>>) dst(%dma_wait3A_144 : memref<640x128xf32, #tpu.memory_space<hbm>>)
      tpu.yield
    }) : () -> ()
    return
  }
}

</mosaic_0001>

<sc_bundles>
// kernel: _sc_aggregate.3.cloned.1.call-start
scs
__scs_entry_jumppad:
0x0: {  	(pc) =	sbr.rel $0x88, $3  }
0x1: {  	(tag) =	ssettag $0x0;
	lr =	simm.s32 $0x1  }
0x2: {  	[smem:$0x3F9D] =	sst lr;
	_ =	strace $0xD0000000  }
0x3: {  	_ = 	snop  }
0x4: {  	_ = 	snop  }
0x5: {  	_ = 	snop  }
0x6: {  	_ = 	snop  }
0x7: {  	_ = 	snop  }
__scs_overlays_trampoline_lowered:
0x8: {  	[smem:$0x3FAC] =	sst s0  }
0x9: {  	[smem:$0x3FAD] =	sst s1  }
0xa: {  	[smem:$0x3FAE] =	sst s2  }
0xb: {  	[smem:$0x3FAF] =	sst s3  }
0xc: {  	[smem:$0x3FB0] =	sst s4  }
0xd: {  	[smem:$0x3FB1] =	sst s5  }
0xe: {  	[smem:$0x3FB2] =	sst s6  }
0xf: {  	[smem:$0x3FB3] =	sst s7  }
0x10: {  	[smem:$0x3FB4] =	sst s8  }
0x11: {  	[smem:$0x3FB5] =	sst s9;
	s0 =	simm.s32 @!p0 $0x0  }
0x12: {  	s1 =	sld [smem:$0x3F9B];
	s0 =	simm.s32 @p0 $0x1  }
0x13: {  	[smem:$0x3FB6] =	sst s0;
	s0 =	simm.s32 @!p1 $0x0  }
0x14: {  	s2 =	sld [smem:$0x3F9A];
	s0 =	simm.s32 @p1 $0x1  }
0x15: {  	[smem:$0x3FB7] =	sst s0;
	s0 =	simm.s32 @!p2 $0x0  }
0x16: {  	s3 =	sld [smem:$0x3FDB];
	s0 =	simm.s32 @p2 $0x1  }
0x17: {  	s4 =	simm.s32 $0x1BF5;
	[smem:$0x3FB9] =	sst s0  }
0x18: {  	s0 =	sld [smem:$0x3F9C];
	_ =	swait.ge [sflag:s4], $0x0  }
0x19: {  	s7 =	sld [smem:$0x3F9D]  }
0x1a: {  	s8 =	sadd.s32 $0xFFFFE003, lr  }
0x1b: {  	s9 =	sadd.s32 $0xFFFFFEF7, lr;
	s5 =	simm.s32 $0xFFFFFFFF;
	p2 =	slt.u32 s8, $0xFFFFF086  }
0x1c: {  	p1 =	slt.u32 s9, $0xF7A;
	s5 =	simm.s32 @!p2 $0x0  }
0x1d: {  	s5 =	simm.s32 @p1 $0x1;
	p0 =	seq.s32 s7, s2  }
0x1e: {  	s7 =	smul.u32 @!p0 $0xF7A, s2;
	p2 =	seq.s32 @!p0 s5, $0x0  }
0x1f: {  	s9 =	smul.u32 $0xF7A, s1;
	s8 =	simm.s32 @!p0 $0x1BF5;
	p2 =	por !p2, p0  }
0x20: {  	[sflag:s8] =	ssyncset.s32 @!p0 $0xFFFFF086;
	s6 =	sadd.s32 @!p0 s3, s7;
	s7 =	simm.s32 @!p0 $0x108  }
0x21: {  	s3 =	sadd.s32 s3, s9;
	s6 =	sadd.s32 @!p0 $0x88, s6;
	s7 =	simm.s32 @p2 $0x1082  }
0x22: {  	[simem:s7], [sflag:s8] =	dma.local @!p0 [hbm:s6], $0xF7A  }
0x23: {  	s9 =	sor.u32 $0xD0000000, s2;
	s6 =	simm.s32 $0x108;
	_ =	swait.ge @!p0 [sflag:s8], $0x0  }
0x24: {  	s3 =	sadd.s32 $0x88, s3;
	s6 =	simm.s32 @!p1 $0x1082;
	[sflag:s4] =	ssyncset.s32 $0xFFFFF086  }
0x25: {  	[simem:s6], [sflag:s4] =	dma.local [hbm:s3], $0xF7A  }
0x26: {  	[smem:$0x3F9D] =	sst s1;
	(tag) =	ssettag s2;
	_ =	strace s9  }
0x27: {  	s1 =	sld [smem:$0x3FAD]  }
0x28: {  	s2 =	sld [smem:$0x3FAE]  }
0x29: {  	s4 =	sld [smem:$0x3FB0]  }
0x2a: {  	p0 =	seq.s32 s5, $0x0;
	s5 =	sld [smem:$0x3FB1]  }
0x2b: {  	s6 =	sld [smem:$0x3FB2]  }
0x2c: {  	s7 =	sld [smem:$0x3FB3]  }
0x2d: {  	s3 =	simm.s32 $0x108;
	s8 =	sld [smem:$0x3FB4]  }
0x2e: {  	s3 =	simm.s32 @!p0 $0x1082;
	s9 =	sld [smem:$0x3FB5]  }
0x2f: {  	lr =	sadd.s32 s0, s3;
	s0 =	sld [smem:$0x3FAC]  }
0x30: {  	s3 =	sld [smem:$0x3FAF]  }
0x31: {  	[smem:$0x3FB8] =	sst s10  }
0x32: {  	s10 =	sld [smem:$0x3FB6];
	_ =	sdelay $0x3  }
0x33: {  	p0 =	seq.s32 s10, $0x1;
	s10 =	sld [smem:$0x3FB8];
	_ =	sdelay $0x3  }
0x34: {  	[smem:$0x3FB8] =	sst s10  }
0x35: {  	s10 =	sld [smem:$0x3FB7];
	_ =	sdelay $0x3  }
0x36: {  	p1 =	seq.s32 s10, $0x1;
	s10 =	sld [smem:$0x3FB8];
	_ =	sdelay $0x3  }
0x37: {  	[smem:$0x3FB8] =	sst s10  }
0x38: {  	s10 =	sld [smem:$0x3FB9]  }
0x39: {  	_ = 	snop;
	(pc) =	sbr.ind lr, $3  }
0x3a: {  	_ = 	snop  }
0x3b: {  	_ = 	snop  }
0x3c: {  	p2 =	seq.s32 s10, $0x1;
	s10 =	sld [smem:$0x3FB8]  }
0x3d: {  	_ =	shalt  }
0x3e: {  	_ =	shalt  }
0x3f: {  	_ =	shalt  }
0x40: {  	_ =	shalt  }
0x41: {  	_ =	shalt  }
0x42: {  	_ =	shalt  }
0x43: {  	_ =	shalt  }
0x44: {  	_ =	shalt  }
0x45: {  	_ =	shalt  }
0x46: {  	_ =	shalt  }
0x47: {  	_ =	shalt  }
0x48: {  	_ =	shalt  }
0x49: {  	_ =	shalt  }
0x4a: {  	_ =	shalt  }
0x4b: {  	_ =	shalt  }
0x4c: {  	_ =	shalt  }
0x4d: {  	_ =	shalt  }
0x4e: {  	_ =	shalt  }
0x4f: {  	_ =	shalt  }
0x50: {  	_ =	shalt  }
0x51: {  	_ =	shalt  }
0x52: {  	_ =	shalt  }
0x53: {  	_ =	shalt  }
0x54: {  	_ =	shalt  }
0x55: {  	_ =	shalt  }
0x56: {  	_ =	shalt  }
0x57: {  	_ =	shalt  }
0x58: {  	_ =	shalt  }
0x59: {  	_ =	shalt  }
0x5a: {  	_ =	shalt  }
0x5b: {  	_ =	shalt  }
0x5c: {  	_ =	shalt  }
0x5d: {  	_ =	shalt  }
0x5e: {  	_ =	shalt  }
0x5f: {  	_ =	shalt  }
0x60: {  	_ =	shalt  }
0x61: {  	_ =	shalt  }
0x62: {  	_ =	shalt  }
0x63: {  	_ =	shalt  }
0x64: {  	_ =	shalt  }
0x65: {  	_ =	shalt  }
0x66: {  	_ =	shalt  }
0x67: {  	_ =	shalt  }
0x68: {  	_ =	shalt  }
0x69: {  	_ =	shalt  }
0x6a: {  	_ =	shalt  }
0x6b: {  	_ =	shalt  }
0x6c: {  	_ =	shalt  }
0x6d: {  	_ =	shalt  }
0x6e: {  	_ =	shalt  }
0x6f: {  	_ =	shalt  }
0x70: {  	_ =	shalt  }
0x71: {  	_ =	shalt  }
0x72: {  	_ =	shalt  }
0x73: {  	_ =	shalt  }
0x74: {  	_ =	shalt  }
0x75: {  	_ =	shalt  }
0x76: {  	_ =	shalt  }
0x77: {  	_ =	shalt  }
0x78: {  	_ =	shalt  }
0x79: {  	_ =	shalt  }
0x7a: {  	_ =	shalt  }
0x7b: {  	_ =	shalt  }
0x7c: {  	_ =	shalt  }
0x7d: {  	_ =	shalt  }
0x7e: {  	_ =	shalt  }
0x7f: {  	_ =	shalt  }
0x80: {  	_ =	shalt  }
0x81: {  	_ =	shalt  }
0x82: {  	_ =	shalt  }
0x83: {  	_ =	shalt  }
0x84: {  	_ =	shalt  }
0x85: {  	_ =	shalt  }
0x86: {  	_ =	shalt  }
0x87: {  	_ =	shalt  }
.Lfunc_end0:
.L_simem_size_0:
called_computation_lowered:
.L_overlay_start_0:
0x88: {  	s2 =	sld [smem:$0x3FD9]  }
0x89: {  	s3 =	sld [smem:$0x3FFE];
	_ =	sdelay $0x1  }
0x8a: {  	s1 =	srdreg.scid  }
0x8b: {  	s0 =	sand.u32 $0x1, s1  }
0x8c: {  	s17 =	sshll.u32 s0, $0xA;
	s2 =	sadd.s32 s3, s2  }
0x8d: {  	s2 =	sadd.s32 s2, s17  }
0x8e: {  	[smem:$0x3FC4] =	sst s2  }
0x8f: {  	_ = 	snop  }
0x90: {  	s2 =	sld [smem:$0x3FC8]  }
0x91: {  	s18 =	sld [smem:$0x3FC7]  }
0x92: {  	s4 =	sld [smem:$0x3FC6]  }
0x93: {  	s5 =	sld [smem:$0x3FD0];
	(tm) =	ssettm $0x1  }
0x94: {  	s6 =	sld [smem:$0x3FFB];
	_ =	sdelay $0x3  }
0x95: {  	_ =	strace s6  }
0x96: {  	s6 =	sld [smem:$0x3FFC];
	_ =	sdelay $0x3  }
0x97: {  	_ =	strace s6  }
0x98: {  	s6 =	sld [smem:$0x3FFD];
	_ =	sdelay $0x3  }
0x99: {  	_ =	strace s6  }
0x9a: {  	_ =	strace $0x8FFFFFFF  }
0x9b: {  	s19 =	sld [smem:$0x3FDB];
	_ =	sdelay $0x1  }
0x9c: {  	s7 =	simm.s32 $_scs_section_size  }
0x9d: {  	s8 =	simm.s32 $_size__tile_overlayer_lowered;
	s9 =	simm.s32 $_tile_overlayer_lowered  }
0x9e: {  	s22 =	simm.s32 $0x1BFF;
	s21 =	sshll.u32 s9, $0x1;
	s6 =	sadd.s32 s7, s19  }
0x9f: {  	s10 =	simm.s32 $0x0;
	s20 =	sshll.u32 s8, $0x1;
	s8 =	sadd.s32 s21, s6  }
0xa0: {  	[timem:s10], [sflag:s22] =	dma.local [hbm:s8], s20  }
0xa1: {  	_ =	swait.ge [sflag:s22], s20  }
0xa2: {  	s7 =	ssub.s32 $0x0, s20;
	[sflag:s22] =	ssyncset.done $0x0  }
0xa3: {  	[sflag:s22] =	ssyncadd.s32 s7;
	_ =	sdelay $0x1  }
0xa4: {  	s23 =	simm.s32 $0x1B8B  }
0xa5: {  	_ =	swait.ge [sflag:s23], $0x1  }
0xa6: {  	[sflag:s23] =	ssyncset.done $0x0  }
0xa7: {  	s25 =	simm.s32 $0x1B8E;
	s24 =	sld [smem:$0x3FFE];
	[sflag:s23] =	ssyncadd.s32 $0xFFFFFFFF  }
0xa8: {  	s26 =	simm.s32 $execute0_lowered;
	[smem:$0x3FD2] =	sst s25  }
0xa9: {  	s8 =	sshll.u32 s26, $0x1;
	_ =	strace $0x80000046;
	[dreg:$0x1] =	wrdreg $0xFFFFFFFF  }
0xaa: {  	s28 =	simm.s32 $_size_execute0_lowered;
	s6 =	sadd.s32 s6, s8;
	[dreg:$0x0] =	wrdreg $0x0  }
0xab: {  	s8 =	sshll.u32 s28, $0x1;
	[dreg:$0x2] =	wrdreg s6  }
0xac: {  	[dreg:$0x3] =	wrdreg s8  }
0xad: {  	[dreg:$0x4] =	wrdreg $0xC0  }
0xae: {  	_ =	task [dreg:s10], $0x5FFFF  }
0xaf: {  	[dreg:$0x1] =	wrdreg $0xFFFFFFFF  }
0xb0: {  	[dreg:$0x0] =	wrdreg $0x60  }
0xb1: {  	[dreg:$0x2] =	wrdreg s24  }
0xb2: {  	[dreg:$0x3] =	wrdreg s2  }
0xb3: {  	[dreg:$0x4] =	wrdreg s18  }
0xb4: {  	[dreg:$0x5] =	wrdreg s4  }
0xb5: {  	[dreg:$0x6] =	wrdreg s5  }
0xb6: {  	[dreg:$0x7] =	wrdreg $0x79400  }
0xb7: {  	[dreg:$0x8] =	wrdreg $0x9  }
0xb8: {  	_ =	task.clear_ibuf [dreg:s10], $0x9FFFF;
	_ =	strace $0x90000046  }
0xb9: {  	s29 =	simm.s32 $0x9;
	_ =	strace $0x80000048  }
0xba: {  	_ =	swait.ge [sflag:s29], $0x1  }
0xbb: {  	[sflag:s29] =	ssyncadd.s32 $0xFFFFFFFF  }
0xbc: {  	_ =	strace $0x90000048  }
0xbd: {  	_ =	sfence  }
0xbe: {  	s30 =	sld [smem:$0x0];
	_ =	sdelay $0x2  }
0xbf: {  	s31 =	sshll.u32 s1, $0xD;
	s1 =	sshrl.u32 s1, $0x2  }
0xc0: {  	s3 =	sand.u32 $0x4000, s31;
	s1 =	sadd.s32 s1, s30  }
0xc1: {  	s0 =	sor.u32 s3, s0;
	s1 =	sshll.u32 s1, $0x11  }
0xc2: {  	s0 =	sor.u32 s1, s0  }
0xc3: {  	s0 =	sadd.s32 $0x8F2B, s0  }
0xc4: {  	[sflag:s0] =	ssyncadd.remote.s32 $0x1  }
0xc5: {  	_ =	sfence.sel $0xFFFF  }
0xc6: {  	[dreg:$0x0] =	wrdreg $0xFFFFFFFF;
	(pc) =	sbr.abs _section_cstart, $3  }
0xc7: {  	[dreg:$0x1] =	wrdreg $0xFFFFFFFF  }
0xc8: {  	_ =	task.clear_ibuf [dreg:s10], $0x2FFFF;
	_ =	strace $0x9FFFFFFF  }
0xc9: {  	(tm) =	ssettm $0x7FFFFFFF  }
tec
execute0_lowered:
.L_overlay_start_1:
0x0: {  	(tag) =	ssettag $0x1  }
0x1: {  	s0 =	rddreg [dreg:$0x0]  }
0x2: {  	s1 =	rddreg [dreg:$0x1]  }
0x3: {  	s2 =	rddreg [dreg:$0x2]  }
0x4: {  	s3 =	rddreg [dreg:$0x3]  }
0x5: {  	s5 =	rddreg [dreg:$0x4]  }
0x6: {  	s4 =	rddreg [dreg:$0x5];
	s6 =	simm.s32 $0x0  }
0x7: {  	s7 =	srdreg.scid;
	s12 =	stileid.u32;
	s29 =	simm.s32 $0x140  }
0x8: {  	s31 =	simm.s32 $0x50;
	[smem:$0x7FF] =	sst s6;
	s8 =	sand.u32 $0x1, s7  }
0x9: {  	s10 =	smul.u32 $0x50000, s12;
	s7 =	sadd.s32 $0x400, s0;
	_ =	strace $0x80000047  }
0xa: {  	s9 =	ssub.s32 $0x2, s8;
	s11 =	sshll.u32 s8, $0x4;
	s8 =	smul.u32 $0x140000, s8  }
0xb: {  	s11 =	sor.u32 s12, s11;
	s12 =	smul.u32 $0x14000, s12;
	s10 =	sshrl.u32 s10, $0x2  }
0xc: {  	s28 =	sshrl.u32 s9, $0x1;
	s30 =	smul.u32 $0x2710, s11;
	s10 =	sadd.s32 s10, s4  }
0xd: {  	s0 =	ssub.s32 s9, s28;
	s11 =	smul.u32 $0x27100, s11;
	s13 =	sadd.s32 $0x2800, s10  }
0xe: {  	s9 =	simm.s32 $0x0;
	s14 =	sadd.s32 $0x5000, s10;
	[dreg:$0x8] =	wrdreg s13  }
0xf: {  	s24 =	sadd.s32 s12, s4;
	s15 =	sadd.s32 $0x7800, s10;
	[dreg:$0x9] =	wrdreg s14  }
0x10: {  	s16 =	sadd.s32 $0xA000, s10;
	s17 =	sadd.s32 $0xC800, s10;
	[dreg:$0xa] =	wrdreg s15  }
0x11: {  	s18 =	sadd.s32 $0xF000, s10;
	s10 =	sadd.s32 $0x11800, s10;
	[dreg:$0xb] =	wrdreg s16  }
0x12: {  	s8 =	sadd.s32 s12, s8;
	s0 =	smax.u32 s0, $0x1;
	[dreg:$0xc] =	wrdreg s17  }
0x13: {  	s12 =	simm.s32 $0xF0;
	[dreg:$0xd] =	wrdreg s18;
	s19 =	sshrl.u32 s30, $0x3  }
0x14: {  	[dreg:$0xe] =	wrdreg s10;
	s17 =	sadd.s32 $0x50, s30;
	s8 =	sshrl.u32 s8, $0x3  }
0x15: {  	s23 =	sadd.s32 s3, s11;
	s25 =	sadd.s32 $0x26C0, s30;
	[dreg:$0x17] =	wrdreg s0  }
0x16: {  	s11 =	simm.s32 $0xB;
	s0 =	simm.s32 $0xA0;
	s13 =	simm.s32 $0x2940  }
0x17: {  	s14 =	simm.s32 $0x1;
	s15 =	simm.s32 $0x3;
	s16 =	simm.s32 $0x9  }
0x18: {  	s18 =	simm.s32 $0x5;
	[dreg:$0x7] =	wrdreg s24;
	s20 =	sadd.s32 s1, s19  }
0x19: {  	s21 =	sshrl.u32 s17, $0x3;
	s22 =	sadd.s32 s2, s19;
	[dreg:$0x12] =	wrdreg s23  }
0x1a: {  	s5 =	sadd.s32 s5, s8;
	s26 =	sshrl.u32 s25, $0x3;
	[dreg:$0xf] =	wrdreg s20  }
0x1b: {  	s28 =	sshll.u32 s25, $0x4;
	s23 =	sadd.s32 $0xF0, s30;
	[dreg:$0x11] =	wrdreg s22  }
0x1c: {  	s19 =	simm.s32 $0x2;
	s10 =	sadd.s32 s1, s21;
	[dreg:$0x13] =	wrdreg s5  }
0x1d: {  	s22 =	sadd.s32 $0xA0, s30;
	s8 =	sadd.s32 s3, s28;
	[dreg:$0x10] =	wrdreg s10  }
0x1e: {  	s30 =	sadd.s32 s2, s26;
	s5 =	sadd.s32 s1, s26;
	[dreg:$0x14] =	wrdreg s8  }
0x1f: {  	s20 =	simm.s32 $0x4;
	s21 =	simm.s32 $0xA;
	[dreg:$0x15] =	wrdreg s30  }
0x20: {  	v0 =	vimm.f32 $0.0e+00;
	[dreg:$0x16] =	wrdreg s5;
	s5 =	simm.s32 $0x7;
	s10 =	simm.s32 $0x8  }
.LBB2_1:
0x21: {  	[dreg:$0x18] =	wrdreg s9;
	s8 =	simm.s32 $0x0;
	s9 =	simm.s32 $0x200  }
.LBB2_2:
0x22: {  	p0 =	sne.s32 s9, $0x9E00;
	[tilespmem:s8+$0x1B0] =	vst v0  }
0x23: {  	[tilespmem:s8+$0x140] =	vst v0  }
0x24: {  	[tilespmem:s8+$0x150] =	vst v0  }
.Ltmp0:
0x25: {  	[tilespmem:s8+$0x160] =	vst v0;
	(pc) =	sbr.rel @p0 .LBB2_2-.Ltmp0, $4  }
0x26: {  	[tilespmem:s8+$0x170] =	vst v0  }
0x27: {  	[tilespmem:s8+$0x180] =	vst v0  }
0x28: {  	[tilespmem:s8+$0x190] =	vst v0  }
0x29: {  	[tilespmem:s8+$0x1A0] =	vst v0;
	s8 =	sshra.s32 s9, $0x2;
	s9 =	sadd.s32 $0x200, s9  }
0x2a: {  	[tilespmem:s8+$0x1B0] =	vst v0  }
0x2b: {  	[tilespmem:s8+$0x140] =	vst v0  }
0x2c: {  	[tilespmem:s8+$0x150] =	vst v0  }
0x2d: {  	[tilespmem:s8+$0x160] =	vst v0  }
0x2e: {  	[tilespmem:s8+$0x170] =	vst v0  }
0x2f: {  	[tilespmem:s8+$0x180] =	vst v0  }
0x30: {  	[tilespmem:s8+$0x190] =	vst v0  }
0x31: {  	[tilespmem:s8+$0x1A0] =	vst v0  }
0x32: {  	[spmem:s24] =	stream.linear.scatter [tilespmem:s29], [sflag:$0xB], $0x2800, $0x38;
	[tilespmem:$0x1B940] =	vst v63  }
0x33: {  	_ =	swait.ge [sflag:s11], $0x2800  }
0x34: {  	[sflag:s11] =	ssyncset.done $0x0  }
0x35: {  	s9 =	rddreg [dreg:$0x8];
	[sflag:s11] =	ssyncadd.s32 $0xFFFFD800  }
0x36: {  	[spmem:s9] =	stream.linear.scatter [tilespmem:s29], [sflag:$0xB], $0x2800, $0x38;
	[tilespmem:$0x1B940] =	vst v63  }
0x37: {  	_ =	swait.ge [sflag:s11], $0x2800  }
0x38: {  	[sflag:s11] =	ssyncset.done $0x0  }
0x39: {  	s24 =	rddreg [dreg:$0x9];
	[sflag:s11] =	ssyncadd.s32 $0xFFFFD800  }
0x3a: {  	[spmem:s24] =	stream.linear.scatter [tilespmem:s29], [sflag:$0xB], $0x2800, $0x38;
	[tilespmem:$0x1B940] =	vst v63  }
0x3b: {  	_ =	swait.ge [sflag:s11], $0x2800  }
0x3c: {  	[sflag:s11] =	ssyncset.done $0x0  }
0x3d: {  	s25 =	rddreg [dreg:$0xa];
	[sflag:s11] =	ssyncadd.s32 $0xFFFFD800  }
0x3e: {  	[spmem:s25] =	stream.linear.scatter [tilespmem:s29], [sflag:$0xB], $0x2800, $0x38;
	[tilespmem:$0x1B940] =	vst v63  }
0x3f: {  	_ =	swait.ge [sflag:s11], $0x2800  }
0x40: {  	[sflag:s11] =	ssyncset.done $0x0  }
0x41: {  	s26 =	rddreg [dreg:$0xb];
	[sflag:s11] =	ssyncadd.s32 $0xFFFFD800  }
0x42: {  	[spmem:s26] =	stream.linear.scatter [tilespmem:s29], [sflag:$0xB], $0x2800, $0x38;
	[tilespmem:$0x1B940] =	vst v63  }
0x43: {  	_ =	swait.ge [sflag:s11], $0x2800  }
0x44: {  	[sflag:s11] =	ssyncset.done $0x0  }
0x45: {  	s28 =	rddreg [dreg:$0xc];
	[sflag:s11] =	ssyncadd.s32 $0xFFFFD800  }
0x46: {  	[spmem:s28] =	stream.linear.scatter [tilespmem:s29], [sflag:$0xB], $0x2800, $0x38;
	[tilespmem:$0x1B940] =	vst v63  }
0x47: {  	_ =	swait.ge [sflag:s11], $0x2800  }
0x48: {  	[sflag:s11] =	ssyncset.done $0x0  }
0x49: {  	s30 =	rddreg [dreg:$0xd];
	[sflag:s11] =	ssyncadd.s32 $0xFFFFD800  }
0x4a: {  	[spmem:s30] =	stream.linear.scatter [tilespmem:s29], [sflag:$0xB], $0x2800, $0x38;
	[tilespmem:$0x1B940] =	vst v63  }
0x4b: {  	_ =	swait.ge [sflag:s11], $0x2800  }
0x4c: {  	[sflag:s11] =	ssyncset.done $0x0  }
0x4d: {  	s9 =	rddreg [dreg:$0xe];
	[sflag:s11] =	ssyncadd.s32 $0xFFFFD800  }
0x4e: {  	[spmem:s9] =	stream.linear.scatter [tilespmem:s29], [sflag:$0xB], $0x2800, $0x38;
	[tilespmem:$0x1B940] =	vst v63  }
0x4f: {  	_ =	swait.ge [sflag:s11], $0x2800  }
0x50: {  	[sflag:s11] =	ssyncset.done $0x0  }
0x51: {  	[sflag:s11] =	ssyncadd.s32 $0xFFFFD800  }
0x52: {  	[bflag:$0x0] =	sbarrier.arrive $0xFFFF  }
0x53: {  	s26 =	simm.s32 $0x0;
	s11 =	rddreg [dreg:$0xf]  }
0x54: {  	[tilespmem:s26], [sflag:$0x7] =	stream.linear.gather [hbm4b:s11+s26], $0x50, $0x38;
	[tilespmem:$0x1B940] =	vst v63  }
0x55: {  	s24 =	rddreg [dreg:$0x10]  }
0x56: {  	[tilespmem:s31], [sflag:$0x8] =	stream.linear.gather [hbm4b:s24+s26], $0x50, $0x38;
	[tilespmem:$0x1B940] =	vst v63  }
0x57: {  	s25 =	rddreg [dreg:$0x11]  }
0x58: {  	[tilespmem:s0], [sflag:$0x9] =	stream.linear.gather [hbm4b:s25+s26], $0x50, $0x38;
	[tilespmem:$0x1B940] =	vst v63  }
0x59: {  	_ =	swait.ge [sflag:s5], $0x50  }
0x5a: {  	[sflag:s5] =	ssyncset.done $0x0  }
0x5b: {  	s28 =	simm.s32 $0x5140;
	[sflag:s5] =	ssyncadd.s32 $0xFFFFFFB0  }
0x5c: {  	[tilespmem:s28], [sflag:$0x1] =	stream.indirect.gather [hbm4b:s7+s31], $0x40, s26, s31, $0xb8;
	[tilespmem:$0x1B940] =	vst v63  }
0x5d: {  	s30 =	rddreg [dreg:$0x12]  }
0x5e: {  	[tilespmem:s29], [sflag:$0x3] =	stream.linear.gather [hbm4b:s30+s26], $0x2800, $0x38;
	[tilespmem:$0x1B940] =	vst v63  }
.LBB2_4:
0x5f: {  	_ =	swait.ge [sflag:s10], $0x50  }
0x60: {  	[sflag:s10] =	ssyncset.done $0x0  }
0x61: {  	s8 =	simm.s32 $0x6540;
	[sflag:s10] =	ssyncadd.s32 $0xFFFFFFB0  }
0x62: {  	[tilespmem:s8], [sflag:$0x2] =	stream.indirect.gather [hbm4b:s7+s31], $0x40, s31, s31, $0xb8;
	[tilespmem:$0x1B940] =	vst v63  }
0x63: {  	p0 =	seq.s32 s26, $0x0;
	s8 =	smul.u32 $0xA0, s26  }
0x64: {  	s9 =	simm.s32 @!p0 $0x6  }
0x65: {  	_ =	swait.ge @!p0 [sflag:s9], $0x2800;
	s11 =	sadd.s32 s8, s17  }
0x66: {  	[sflag:s9] =	ssyncset.done @!p0 $0x0;
	s24 =	sshrl.u32 s11, $0x3;
	s25 =	sshll.u32 s11, $0x4  }
0x67: {  	[sflag:s9] =	ssyncadd.s32 @!p0 $0xFFFFD800;
	s24 =	sadd.s32 s2, s24;
	s9 =	sand.u32 $0x1FFFFF00, s25  }
0x68: {  	[tilespmem:s12], [sflag:$0xA] =	stream.linear.gather [hbm4b:s24+s6], $0x50, $0x38;
	[tilespmem:$0x1B940] =	vst v63  }
0x69: {  	s9 =	sadd.s32 s3, s9  }
0x6a: {  	[tilespmem:s13], [sflag:$0x4] =	stream.linear.gather [hbm4b:s9+s6], $0x2800, $0x38;
	[tilespmem:$0x1B940] =	vst v63  }
0x6b: {  	_ =	swait.ge [sflag:s14], $0x1400  }
0x6c: {  	[sflag:s14] =	ssyncset.done $0x0  }
0x6d: {  	[sflag:s14] =	ssyncadd.s32 $0xFFFFEC00  }
0x6e: {  	s28 =	sadd.s32 s8, s22;
	_ =	swait.ge [sflag:s15], $0x2800  }
0x6f: {  	s24 =	sshrl.u32 s28, $0x3;
	[sflag:s15] =	ssyncset.done $0x0  }
0x70: {  	s9 =	sadd.s32 s1, s24;
	[sflag:s15] =	ssyncadd.s32 $0xFFFFD800  }
0x71: {  	[tilespmem:s6], [sflag:$0x7] =	stream.linear.gather [hbm4b:s9+s6], $0x50, $0x38;
	[tilespmem:$0x1B940] =	vst v63  }
0x72: {  	_ =	swait.ge [sflag:s16], $0x50  }
0x73: {  	[sflag:s16] =	ssyncset.done $0x0  }
0x74: {  	s11 =	simm.s32 $0x51C0;
	[sflag:s16] =	ssyncadd.s32 $0xFFFFFFB0  }
0x75: {  	s8 =	simm.s32 $0x240;
	v1 =	vld [tilespmem:s11+$0x40]  }
0x76: {  	v2 =	vld [tilespmem:s8+$0x80]  }
0x77: {  	v3 =	vld [tilespmem:s8+$0x90]  }
0x78: {  	v4 =	vld [tilespmem:s11+$0xFFFFFFC0]  }
0x79: {  	v5 =	vld [tilespmem:s11+$0xFFFFFF80]  }
0x7a: {  	v7 =	vld [tilespmem:s8+$0xFFFFFF00];
	v6 =	vshll.u32 v1, $0x10  }
0x7b: {  	v8 =	vld [tilespmem:s11+$0x0];
	v1 =	vand.u32 $0xFFFF0000, v1;
	v2 =	vadd.f32 v6, v2  }
0x7c: {  	v6 =	vld [tilespmem:s8+$0xFFFFFF10];
	v1 =	vadd.f32 v1, v3  }
0x7d: {  	v3 =	vld [tilespmem:s8+$0xFFFFFF80];
	v2 =	vmax.f32 v2, $0.0e+00  }
0x7e: {  	v9 =	vld [tilespmem:s8+$0xFFFFFF90];
	v1 =	vmax.f32 v1, $0.0e+00;
	[tilespmem:s8+$0x80] =	vst v2  }
0x7f: {  	v10 =	vld [tilespmem:s8+$0x0];
	v2 =	vshll.u32 v5, $0x10;
	[tilespmem:s8+$0x90] =	vst v1  }
0x80: {  	v5 =	vand.u32 $0xFFFF0000, v5;
	v1 =	vadd.f32 v2, v7;
	v2 =	vld [tilespmem:s11+$0x50]  }
0x81: {  	v7 =	vld [tilespmem:s8+$0xA0];
	v5 =	vadd.f32 v5, v6;
	v6 =	vshll.u32 v4, $0x10  }
0x82: {  	v4 =	vand.u32 $0xFFFF0000, v4;
	v1 =	vmax.f32 v1, $0.0e+00;
	v3 =	vadd.f32 v6, v3;
	v6 =	vld [tilespmem:s8+$0xB0]  }
0x83: {  	v4 =	vadd.f32 v4, v9;
	[tilespmem:s8+$0xFFFFFF00] =	vst v1;
	v1 =	vmax.f32 v5, $0.0e+00  }
0x84: {  	v11 =	vld [tilespmem:s8+$0xFFFFFF30];
	[tilespmem:s8+$0xFFFFFF10] =	vst v1;
	v1 =	vshll.u32 v8, $0x10;
	v3 =	vmax.f32 v3, $0.0e+00  }
0x85: {  	v5 =	vld [tilespmem:s8+$0x10];
	v1 =	vadd.f32 v1, v10;
	[tilespmem:s8+$0xFFFFFF80] =	vst v3;
	v3 =	vmax.f32 v4, $0.0e+00;
	v4 =	vshll.u32 v2, $0x10  }
0x86: {  	v10 =	vld [tilespmem:s11+$0xFFFFFF90];
	v2 =	vand.u32 $0xFFFF0000, v2;
	[tilespmem:s8+$0xFFFFFF90] =	vst v3;
	v3 =	vadd.f32 v4, v7  }
0x87: {  	v9 =	vld [tilespmem:s8+$0xFFFFFF20];
	v1 =	vmax.f32 v1, $0.0e+00;
	v2 =	vadd.f32 v2, v6  }
0x88: {  	v7 =	vld [tilespmem:s8+$0xFFFFFFB0];
	[tilespmem:s8+$0x0] =	vst v1;
	v3 =	vmax.f32 v3, $0.0e+00  }
0x89: {  	v4 =	vld [tilespmem:s11+$0xFFFFFFD0];
	v6 =	vand.u32 $0xFFFF0000, v8;
	[tilespmem:s8+$0xA0] =	vst v3;
	v2 =	vmax.f32 v2, $0.0e+00  }
0x8a: {  	v1 =	vld [tilespmem:s8+$0xFFFFFFA0];
	v3 =	vadd.f32 v6, v5;
	[tilespmem:s8+$0xB0] =	vst v2  }
0x8b: {  	v2 =	vshll.u32 v10, $0x10;
	v6 =	vld [tilespmem:s11+$0x60]  }
0x8c: {  	v8 =	vand.u32 $0xFFFF0000, v10;
	v3 =	vmax.f32 v3, $0.0e+00;
	v2 =	vadd.f32 v2, v9;
	v9 =	vld [tilespmem:s8+$0xC0]  }
0x8d: {  	v8 =	vadd.f32 v8, v11;
	[tilespmem:s8+$0x10] =	vst v3;
	v3 =	vld [tilespmem:s8+$0xD0]  }
0x8e: {  	v10 =	vshll.u32 v4, $0x10;
	v2 =	vmax.f32 v2, $0.0e+00;
	v11 =	vld [tilespmem:s11+$0x10]  }
0x8f: {  	v5 =	vld [tilespmem:s8+$0x20];
	v4 =	vand.u32 $0xFFFF0000, v4;
	v8 =	vmax.f32 v8, $0.0e+00;
	v1 =	vadd.f32 v10, v1;
	[tilespmem:s8+$0xFFFFFF20] =	vst v2  }
0x90: {  	v2 =	vadd.f32 v4, v7;
	[tilespmem:s8+$0xFFFFFF30] =	vst v8;
	v4 =	vld [tilespmem:s8+$0x30]  }
0x91: {  	v1 =	vmax.f32 v1, $0.0e+00;
	v7 =	vld [tilespmem:s11+$0xFFFFFFA0];
	v8 =	vshll.u32 v6, $0x10  }
0x92: {  	[tilespmem:s8+$0xFFFFFFA0] =	vst v1;
	v1 =	vmax.f32 v2, $0.0e+00;
	v2 =	vld [tilespmem:s8+$0xFFFFFF40];
	v6 =	vand.u32 $0xFFFF0000, v6;
	v8 =	vadd.f32 v8, v9  }
0x93: {  	[tilespmem:s8+$0xFFFFFFB0] =	vst v1;
	v1 =	vadd.f32 v6, v3;
	v3 =	vld [tilespmem:s8+$0xFFFFFF50];
	v6 =	vshll.u32 v11, $0x10  }
0x94: {  	v9 =	vld [tilespmem:s11+$0xFFFFFFE0];
	v10 =	vand.u32 $0xFFFF0000, v11;
	v8 =	vmax.f32 v8, $0.0e+00;
	v5 =	vadd.f32 v6, v5  }
0x95: {  	v6 =	vld [tilespmem:s8+$0xFFFFFFC0];
	v4 =	vadd.f32 v10, v4;
	v1 =	vmax.f32 v1, $0.0e+00;
	[tilespmem:s8+$0xC0] =	vst v8  }
0x96: {  	v10 =	vld [tilespmem:s8+$0xFFFFFFD0];
	v8 =	vshll.u32 v7, $0x10;
	[tilespmem:s8+$0xD0] =	vst v1;
	v1 =	vmax.f32 v5, $0.0e+00  }
0x97: {  	v5 =	vand.u32 $0xFFFF0000, v7;
	v2 =	vadd.f32 v8, v2;
	v4 =	vmax.f32 v4, $0.0e+00;
	v7 =	vld [tilespmem:s11+$0x70];
	[tilespmem:s8+$0x20] =	vst v1  }
0x98: {  	v1 =	vld [tilespmem:s8+$0xF0];
	[tilespmem:s8+$0x30] =	vst v4  }
0x99: {  	v3 =	vadd.f32 v5, v3;
	v4 =	vshll.u32 v9, $0x10;
	v2 =	vmax.f32 v2, $0.0e+00;
	v5 =	vld [tilespmem:s11+$0x20]  }
0x9a: {  	v8 =	vand.u32 $0xFFFF0000, v9;
	v9 =	vld [tilespmem:s8+$0x40];
	[tilespmem:s8+$0xFFFFFF40] =	vst v2;
	v2 =	vadd.f32 v4, v6  }
0x9b: {  	v3 =	vmax.f32 v3, $0.0e+00;
	v4 =	vadd.f32 v8, v10;
	v6 =	vld [tilespmem:s8+$0x50]  }
0x9c: {  	v10 =	vld [tilespmem:s8+$0xFFFFFF70];
	[tilespmem:s8+$0xFFFFFF50] =	vst v3;
	v2 =	vmax.f32 v2, $0.0e+00  }
0x9d: {  	v8 =	vld [tilespmem:s11+$0xFFFFFFB0];
	[tilespmem:s8+$0xFFFFFFC0] =	vst v2;
	v2 =	vmax.f32 v4, $0.0e+00  }
0x9e: {  	v3 =	vld [tilespmem:s8+$0xFFFFFF60];
	v4 =	vand.u32 $0xFFFF0000, v7;
	[tilespmem:s8+$0xFFFFFFD0] =	vst v2  }
0x9f: {  	v2 =	vshll.u32 v5, $0x10;
	v1 =	vadd.f32 v4, v1;
	v11 =	vld [tilespmem:s11+$0xFFFFFFF0]  }
0xa0: {  	v4 =	vand.u32 $0xFFFF0000, v5;
	v2 =	vadd.f32 v2, v9;
	v9 =	vld [tilespmem:s8+$0xFFFFFFE0]  }
0xa1: {  	v5 =	vadd.f32 v4, v6;
	v4 =	vld [tilespmem:s8+$0xFFFFFFF0];
	v1 =	vmax.f32 v1, $0.0e+00  }
0xa2: {  	v6 =	vmax.f32 v2, $0.0e+00;
	v2 =	vld [tilespmem:s8+$0x60];
	v12 =	vshll.u32 v8, $0x10;
	[tilespmem:s8+$0xF0] =	vst v1  }
0xa3: {  	v5 =	vmax.f32 v5, $0.0e+00;
	[tilespmem:s8+$0x40] =	vst v6;
	v6 =	vand.u32 $0xFFFF0000, v8;
	v12 =	vadd.f32 v12, v3;
	v3 =	vld [tilespmem:s8+$0x70]  }
0xa4: {  	s30 =	simm.s32 $0x0;
	v1 =	vshll.u32 v7, $0x10;
	[tilespmem:s8+$0x50] =	vst v5;
	v5 =	vld [tilespmem:s8+$0xE0];
	v7 =	vadd.f32 v6, v10;
	v6 =	vshll.u32 v11, $0x10  }
0xa5: {  	s25 =	sshll.u32 s26, $0x1;
	s9 =	simm.s32 $0x52C0;
	v8 =	vand.u32 $0xFFFF0000, v11;
	v10 =	vmax.f32 v12, $0.0e+00;
	v9 =	vadd.f32 v6, v9;
	v6 =	vld [tilespmem:s11+$0x30];
	s11 =	simm.s32 $0x240  }
.LBB2_5:
0xa6: {  	v11 =	vld [tilespmem:s9+$0x40];
	[tilespmem:s8+$0xFFFFFF60] =	vst v10;
	v7 =	vmax.f32 v7, $0.0e+00;
	v4 =	vadd.f32 v8, v4;
	s11 =	sadd.s32 $0x200, s11  }
0xa7: {  	v8 =	vld [tilespmem:s11+$0x80];
	[tilespmem:s8+$0xFFFFFF70] =	vst v7;
	v7 =	vmax.f32 v9, $0.0e+00  }
0xa8: {  	v9 =	vld [tilespmem:s11+$0x90];
	[tilespmem:s8+$0xFFFFFFE0] =	vst v7;
	v4 =	vmax.f32 v4, $0.0e+00  }
0xa9: {  	s30 =	sadd.s32 $0x4, s30;
	v7 =	vld [tilespmem:s9+$0xFFFFFFC0];
	[tilespmem:s8+$0xFFFFFFF0] =	vst v4;
	v1 =	vadd.f32 v1, v5  }
0xaa: {  	p0 =	slt.u32 s30, $0x4C;
	v4 =	vld [tilespmem:s9+$0x0];
	v5 =	vshll.u32 v6, $0x10;
	v6 =	vand.u32 $0xFFFF0000, v6  }
0xab: {  	v10 =	vld [tilespmem:s9+$0xFFFFFF80];
	v12 =	vshll.u32 v11, $0x10;
	v2 =	vadd.f32 v5, v2;
	v3 =	vadd.f32 v6, v3  }
0xac: {  	v6 =	vand.u32 $0xFFFF0000, v11;
	v1 =	vmax.f32 v1, $0.0e+00;
	v5 =	vld [tilespmem:s11+$0xFFFFFF00];
	v8 =	vadd.f32 v12, v8  }
0xad: {  	v11 =	vld [tilespmem:s11+$0xFFFFFF10];
	v6 =	vadd.f32 v6, v9;
	v2 =	vmax.f32 v2, $0.0e+00;
	v3 =	vmax.f32 v3, $0.0e+00;
	[tilespmem:s8+$0xE0] =	vst v1  }
0xae: {  	v1 =	vshll.u32 v7, $0x10;
	v7 =	vand.u32 $0xFFFF0000, v7;
	v9 =	vld [tilespmem:s11+$0xFFFFFF80];
	v8 =	vmax.f32 v8, $0.0e+00;
	[tilespmem:s8+$0x60] =	vst v2  }
0xaf: {  	v2 =	vld [tilespmem:s11+$0xFFFFFF90];
	v12 =	vshll.u32 v4, $0x10;
	v4 =	vand.u32 $0xFFFF0000, v4;
	[tilespmem:s11+$0x80] =	vst v8;
	v6 =	vmax.f32 v6, $0.0e+00  }
0xb0: {  	v8 =	vshll.u32 v10, $0x10;
	v10 =	vand.u32 $0xFFFF0000, v10;
	v13 =	vld [tilespmem:s11+$0x0];
	[tilespmem:s11+$0x90] =	vst v6  }
0xb1: {  	v5 =	vadd.f32 v8, v5;
	v6 =	vld [tilespmem:s9+$0x50];
	[tilespmem:s8+$0x70] =	vst v3;
	s8 =	smov.u32 s11  }
0xb2: {  	v3 =	vadd.f32 v10, v11;
	v8 =	vld [tilespmem:s11+$0xA0]  }
0xb3: {  	v5 =	vmax.f32 v5, $0.0e+00;
	v1 =	vadd.f32 v1, v9;
	v9 =	vld [tilespmem:s11+$0xB0]  }
0xb4: {  	[tilespmem:s11+$0xFFFFFF00] =	vst v5;
	v3 =	vmax.f32 v3, $0.0e+00;
	v2 =	vadd.f32 v7, v2;
	v5 =	vld [tilespmem:s11+$0x10]  }
0xb5: {  	[tilespmem:s11+$0xFFFFFF10] =	vst v3;
	v3 =	vld [tilespmem:s11+$0xFFFFFF20];
	v1 =	vmax.f32 v1, $0.0e+00;
	v7 =	vadd.f32 v12, v13  }
0xb6: {  	v10 =	vld [tilespmem:s9+$0xFFFFFF90];
	[tilespmem:s11+$0xFFFFFF80] =	vst v1;
	v1 =	vmax.f32 v2, $0.0e+00;
	v2 =	vshll.u32 v6, $0x10  }
0xb7: {  	v6 =	vand.u32 $0xFFFF0000, v6;
	v11 =	vld [tilespmem:s11+$0xFFFFFF30];
	[tilespmem:s11+$0xFFFFFF90] =	vst v1;
	v1 =	vmax.f32 v7, $0.0e+00;
	v2 =	vadd.f32 v2, v8  }
0xb8: {  	v7 =	vld [tilespmem:s9+$0xFFFFFFD0];
	[tilespmem:s11+$0x0] =	vst v1;
	v1 =	vadd.f32 v6, v9  }
0xb9: {  	v6 =	vld [tilespmem:s11+$0xFFFFFFA0];
	v4 =	vadd.f32 v4, v5;
	v2 =	vmax.f32 v2, $0.0e+00  }
0xba: {  	v5 =	vld [tilespmem:s11+$0xFFFFFFB0];
	[tilespmem:s11+$0xA0] =	vst v2;
	v1 =	vmax.f32 v1, $0.0e+00  }
0xbb: {  	v2 =	vshll.u32 v10, $0x10;
	v8 =	vand.u32 $0xFFFF0000, v10;
	v4 =	vmax.f32 v4, $0.0e+00;
	v9 =	vld [tilespmem:s11+$0x20];
	[tilespmem:s11+$0xB0] =	vst v1  }
0xbc: {  	v1 =	vadd.f32 v2, v3;
	v2 =	vadd.f32 v8, v11;
	[tilespmem:s11+$0x10] =	vst v4;
	v3 =	vld [tilespmem:s9+$0x60]  }
0xbd: {  	v4 =	vshll.u32 v7, $0x10;
	v7 =	vand.u32 $0xFFFF0000, v7;
	v8 =	vld [tilespmem:s11+$0xC0]  }
0xbe: {  	v1 =	vmax.f32 v1, $0.0e+00;
	v2 =	vmax.f32 v2, $0.0e+00;
	v4 =	vadd.f32 v4, v6;
	v6 =	vld [tilespmem:s11+$0xD0]  }
0xbf: {  	[tilespmem:s11+$0xFFFFFF20] =	vst v1;
	v1 =	vadd.f32 v7, v5;
	v5 =	vld [tilespmem:s9+$0x10]  }
0xc0: {  	[tilespmem:s11+$0xFFFFFF30] =	vst v2;
	v2 =	vmax.f32 v4, $0.0e+00;
	v4 =	vld [tilespmem:s11+$0x30]  }
0xc1: {  	v7 =	vld [tilespmem:s9+$0xFFFFFFA0];
	[tilespmem:s11+$0xFFFFFFA0] =	vst v2;
	v1 =	vmax.f32 v1, $0.0e+00;
	v2 =	vshll.u32 v3, $0x10  }
0xc2: {  	v10 =	vld [tilespmem:s11+$0xFFFFFF40];
	[tilespmem:s11+$0xFFFFFFB0] =	vst v1;
	v1 =	vand.u32 $0xFFFF0000, v3;
	v2 =	vadd.f32 v2, v8  }
0xc3: {  	v3 =	vld [tilespmem:s9+$0xFFFFFFE0];
	v1 =	vadd.f32 v1, v6  }
0xc4: {  	v6 =	vld [tilespmem:s11+$0xFFFFFF50];
	v8 =	vshll.u32 v5, $0x10;
	v5 =	vand.u32 $0xFFFF0000, v5;
	v2 =	vmax.f32 v2, $0.0e+00  }
0xc5: {  	v11 =	vld [tilespmem:s11+$0xFFFFFFC0];
	v8 =	vadd.f32 v8, v9;
	v4 =	vadd.f32 v5, v4;
	[tilespmem:s11+$0xC0] =	vst v2;
	v1 =	vmax.f32 v1, $0.0e+00  }
0xc6: {  	v2 =	vshll.u32 v7, $0x10;
	v5 =	vand.u32 $0xFFFF0000, v7;
	v7 =	vld [tilespmem:s11+$0xFFFFFFD0];
	[tilespmem:s11+$0xD0] =	vst v1  }
0xc7: {  	v1 =	vadd.f32 v2, v10;
	v2 =	vmax.f32 v8, $0.0e+00;
	v4 =	vmax.f32 v4, $0.0e+00;
	v8 =	vld [tilespmem:s9+$0x70]  }
0xc8: {  	v9 =	vshll.u32 v3, $0x10;
	v3 =	vand.u32 $0xFFFF0000, v3;
	[tilespmem:s11+$0x20] =	vst v2;
	v2 =	vld [tilespmem:s11+$0xF0]  }
0xc9: {  	v1 =	vmax.f32 v1, $0.0e+00;
	v5 =	vadd.f32 v5, v6;
	[tilespmem:s11+$0x30] =	vst v4;
	v4 =	vld [tilespmem:s11+$0x40]  }
0xca: {  	[tilespmem:s11+$0xFFFFFF40] =	vst v1;
	v1 =	vadd.f32 v9, v11;
	v6 =	vld [tilespmem:s9+$0x20]  }
0xcb: {  	v5 =	vmax.f32 v5, $0.0e+00;
	v3 =	vadd.f32 v3, v7;
	v7 =	vld [tilespmem:s11+$0x50]  }
0xcc: {  	[tilespmem:s11+$0xFFFFFF50] =	vst v5;
	v5 =	vld [tilespmem:s11+$0xFFFFFF60];
	v9 =	vmax.f32 v1, $0.0e+00;
	v1 =	vshll.u32 v8, $0x10;
	v8 =	vand.u32 $0xFFFF0000, v8  }
0xcd: {  	v10 =	vld [tilespmem:s9+$0xFFFFFFB0];
	[tilespmem:s11+$0xFFFFFFC0] =	vst v9;
	v3 =	vmax.f32 v3, $0.0e+00;
	v2 =	vadd.f32 v8, v2  }
0xce: {  	v8 =	vld [tilespmem:s11+$0xFFFFFF70];
	[tilespmem:s11+$0xFFFFFFD0] =	vst v3  }
0xcf: {  	v9 =	vld [tilespmem:s9+$0xFFFFFFF0];
	v3 =	vshll.u32 v6, $0x10;
	v6 =	vand.u32 $0xFFFF0000, v6;
	v2 =	vmax.f32 v2, $0.0e+00  }
0xd0: {  	v11 =	vld [tilespmem:s11+$0xFFFFFFE0];
	v3 =	vadd.f32 v3, v4;
	v6 =	vadd.f32 v6, v7;
	[tilespmem:s11+$0xF0] =	vst v2  }
.Ltmp1:
0xd1: {  	v4 =	vld [tilespmem:s11+$0xFFFFFFF0];
	(pc) =	sbr.rel @p0 .LBB2_5-.Ltmp1, $4  }
0xd2: {  	v7 =	vshll.u32 v10, $0x10;
	v3 =	vmax.f32 v3, $0.0e+00;
	v6 =	vmax.f32 v6, $0.0e+00;
	v2 =	vld [tilespmem:s11+$0x60]  }
0xd3: {  	v10 =	vand.u32 $0xFFFF0000, v10;
	v12 =	vadd.f32 v7, v5;
	[tilespmem:s11+$0x40] =	vst v3;
	v3 =	vld [tilespmem:s11+$0x70]  }
0xd4: {  	v7 =	vadd.f32 v10, v8;
	v13 =	vshll.u32 v9, $0x10;
	v8 =	vand.u32 $0xFFFF0000, v9;
	[tilespmem:s11+$0x50] =	vst v6;
	v5 =	vld [tilespmem:s11+$0xE0]  }
0xd5: {  	v10 =	vmax.f32 v12, $0.0e+00;
	v9 =	vadd.f32 v13, v11;
	v6 =	vld [tilespmem:s9+$0x30];
	s9 =	sadd.s32 $0x100, s9  }
0xd6: {  	_ =	sdelay $0x2  }
0xd7: {  	[tilespmem:s8+$0xFFFFFF60] =	vst v10;
	v7 =	vmax.f32 v7, $0.0e+00;
	v4 =	vadd.f32 v8, v4  }
0xd8: {  	[tilespmem:s8+$0xFFFFFF70] =	vst v7;
	v7 =	vmax.f32 v9, $0.0e+00;
	v1 =	vadd.f32 v1, v5;
	v5 =	vshll.u32 v6, $0x10  }
0xd9: {  	[tilespmem:s8+$0xFFFFFFE0] =	vst v7;
	v4 =	vmax.f32 v4, $0.0e+00;
	v6 =	vand.u32 $0xFFFF0000, v6;
	v2 =	vadd.f32 v5, v2  }
0xda: {  	[tilespmem:s8+$0xFFFFFFF0] =	vst v4;
	v3 =	vadd.f32 v6, v3;
	v1 =	vmax.f32 v1, $0.0e+00  }
0xdb: {  	[tilespmem:s8+$0xE0] =	vst v1;
	v2 =	vmax.f32 v2, $0.0e+00  }
0xdc: {  	v1 =	vmax.f32 v3, $0.0e+00;
	[tilespmem:s8+$0x60] =	vst v2  }
0xdd: {  	[tilespmem:s8+$0x70] =	vst v1  }
0xde: {  	[spmem:s4] =	stream.indirect.scatter.add.f32 [tilespmem:s29], [sflag:$0x5], $0x80, s0, s31, $0xb8;
	[tilespmem:$0x1B940] =	vst v63  }
0xdf: {  	_ =	swait.ge [sflag:s5], $0x50  }
0xe0: {  	[sflag:s5] =	ssyncset.done $0x0  }
0xe1: {  	s11 =	simm.s32 $0x5140;
	[sflag:s5] =	ssyncadd.s32 $0xFFFFFFB0  }
0xe2: {  	[tilespmem:s11], [sflag:$0x1] =	stream.indirect.gather [hbm4b:s7+s31], $0x40, s6, s31, $0xb8;
	[tilespmem:$0x1B940] =	vst v63  }
0xe3: {  	_ =	swait.ge [sflag:s18], $0x2800  }
0xe4: {  	s28 =	sshll.u32 s28, $0x4;
	[sflag:s18] =	ssyncset.done $0x0  }
0xe5: {  	s24 =	sadd.s32 s2, s24;
	s8 =	sand.u32 $0x1FFFFF00, s28;
	[sflag:s18] =	ssyncadd.s32 $0xFFFFD800  }
0xe6: {  	[tilespmem:s0], [sflag:$0x9] =	stream.linear.gather [hbm4b:s24+s6], $0x50, $0x38;
	[tilespmem:$0x1B940] =	vst v63  }
0xe7: {  	s8 =	sadd.s32 s3, s8  }
0xe8: {  	[tilespmem:s29], [sflag:$0x3] =	stream.linear.gather [hbm4b:s8+s6], $0x2800, $0x38;
	[tilespmem:$0x1B940] =	vst v63  }
0xe9: {  	s30 =	smin.u32 s25, $0x79;
	_ =	swait.ge [sflag:s19], $0x1400  }
0xea: {  	s8 =	smul.u32 $0x50, s30;
	[sflag:s19] =	ssyncset.done $0x0  }
0xeb: {  	[sflag:s19] =	ssyncadd.s32 $0xFFFFEC00  }
0xec: {  	s8 =	sadd.s32 s8, s23;
	_ =	swait.ge [sflag:s20], $0x2800  }
0xed: {  	s8 =	sshrl.u32 s8, $0x3;
	[sflag:s20] =	ssyncset.done $0x0  }
0xee: {  	s8 =	sadd.s32 s1, s8;
	[sflag:s20] =	ssyncadd.s32 $0xFFFFD800  }
0xef: {  	[tilespmem:s31], [sflag:$0x8] =	stream.linear.gather [hbm4b:s8+s6], $0x50, $0x38;
	[tilespmem:$0x1B940] =	vst v63  }
0xf0: {  	_ =	swait.ge [sflag:s21], $0x50  }
0xf1: {  	[sflag:s21] =	ssyncset.done $0x0  }
0xf2: {  	s9 =	simm.s32 $0x65C0;
	[sflag:s21] =	ssyncadd.s32 $0xFFFFFFB0  }
0xf3: {  	s8 =	simm.s32 $0x2A40;
	v1 =	vld [tilespmem:s9+$0x40]  }
0xf4: {  	v2 =	vld [tilespmem:s8+$0x80]  }
0xf5: {  	v3 =	vld [tilespmem:s8+$0x90]  }
0xf6: {  	v4 =	vld [tilespmem:s9+$0xFFFFFFC0]  }
0xf7: {  	v5 =	vld [tilespmem:s9+$0xFFFFFF80]  }
0xf8: {  	v7 =	vld [tilespmem:s8+$0xFFFFFF00];
	v6 =	vshll.u32 v1, $0x10  }
0xf9: {  	v8 =	vld [tilespmem:s9+$0x0];
	v1 =	vand.u32 $0xFFFF0000, v1;
	v2 =	vadd.f32 v6, v2  }
0xfa: {  	v6 =	vld [tilespmem:s8+$0xFFFFFF10];
	v1 =	vadd.f32 v1, v3  }
0xfb: {  	v3 =	vld [tilespmem:s8+$0xFFFFFF80];
	v2 =	vmax.f32 v2, $0.0e+00  }
0xfc: {  	v9 =	vld [tilespmem:s8+$0xFFFFFF90];
	v1 =	vmax.f32 v1, $0.0e+00;
	[tilespmem:s8+$0x80] =	vst v2  }
0xfd: {  	v10 =	vld [tilespmem:s8+$0x0];
	v2 =	vshll.u32 v5, $0x10;
	[tilespmem:s8+$0x90] =	vst v1  }
0xfe: {  	v5 =	vand.u32 $0xFFFF0000, v5;
	v1 =	vadd.f32 v2, v7;
	v2 =	vld [tilespmem:s9+$0x50]  }
0xff: {  	v7 =	vld [tilespmem:s8+$0xA0];
	v5 =	vadd.f32 v5, v6;
	v6 =	vshll.u32 v4, $0x10  }
0x100: {  	v4 =	vand.u32 $0xFFFF0000, v4;
	v1 =	vmax.f32 v1, $0.0e+00;
	v3 =	vadd.f32 v6, v3;
	v6 =	vld [tilespmem:s8+$0xB0]  }
0x101: {  	v4 =	vadd.f32 v4, v9;
	[tilespmem:s8+$0xFFFFFF00] =	vst v1;
	v1 =	vmax.f32 v5, $0.0e+00  }
0x102: {  	v11 =	vld [tilespmem:s8+$0xFFFFFF30];
	[tilespmem:s8+$0xFFFFFF10] =	vst v1;
	v1 =	vshll.u32 v8, $0x10;
	v3 =	vmax.f32 v3, $0.0e+00  }
0x103: {  	v5 =	vld [tilespmem:s8+$0x10];
	v1 =	vadd.f32 v1, v10;
	[tilespmem:s8+$0xFFFFFF80] =	vst v3;
	v3 =	vmax.f32 v4, $0.0e+00;
	v4 =	vshll.u32 v2, $0x10  }
0x104: {  	v10 =	vld [tilespmem:s9+$0xFFFFFF90];
	v2 =	vand.u32 $0xFFFF0000, v2;
	[tilespmem:s8+$0xFFFFFF90] =	vst v3;
	v3 =	vadd.f32 v4, v7  }
0x105: {  	v9 =	vld [tilespmem:s8+$0xFFFFFF20];
	v1 =	vmax.f32 v1, $0.0e+00;
	v2 =	vadd.f32 v2, v6  }
0x106: {  	v7 =	vld [tilespmem:s8+$0xFFFFFFB0];
	[tilespmem:s8+$0x0] =	vst v1;
	v3 =	vmax.f32 v3, $0.0e+00  }
0x107: {  	v4 =	vld [tilespmem:s9+$0xFFFFFFD0];
	v6 =	vand.u32 $0xFFFF0000, v8;
	[tilespmem:s8+$0xA0] =	vst v3;
	v2 =	vmax.f32 v2, $0.0e+00  }
0x108: {  	v1 =	vld [tilespmem:s8+$0xFFFFFFA0];
	v3 =	vadd.f32 v6, v5;
	[tilespmem:s8+$0xB0] =	vst v2  }
0x109: {  	v2 =	vshll.u32 v10, $0x10;
	v6 =	vld [tilespmem:s9+$0x60]  }
0x10a: {  	v8 =	vand.u32 $0xFFFF0000, v10;
	v3 =	vmax.f32 v3, $0.0e+00;
	v2 =	vadd.f32 v2, v9;
	v9 =	vld [tilespmem:s8+$0xC0]  }
0x10b: {  	v8 =	vadd.f32 v8, v11;
	[tilespmem:s8+$0x10] =	vst v3;
	v3 =	vld [tilespmem:s8+$0xD0]  }
0x10c: {  	v10 =	vshll.u32 v4, $0x10;
	v2 =	vmax.f32 v2, $0.0e+00;
	v11 =	vld [tilespmem:s9+$0x10]  }
0x10d: {  	v5 =	vld [tilespmem:s8+$0x20];
	v4 =	vand.u32 $0xFFFF0000, v4;
	v8 =	vmax.f32 v8, $0.0e+00;
	v1 =	vadd.f32 v10, v1;
	[tilespmem:s8+$0xFFFFFF20] =	vst v2  }
0x10e: {  	v2 =	vadd.f32 v4, v7;
	[tilespmem:s8+$0xFFFFFF30] =	vst v8;
	v4 =	vld [tilespmem:s8+$0x30]  }
0x10f: {  	v1 =	vmax.f32 v1, $0.0e+00;
	v7 =	vld [tilespmem:s9+$0xFFFFFFA0];
	v8 =	vshll.u32 v6, $0x10  }
0x110: {  	[tilespmem:s8+$0xFFFFFFA0] =	vst v1;
	v1 =	vmax.f32 v2, $0.0e+00;
	v2 =	vld [tilespmem:s8+$0xFFFFFF40];
	v6 =	vand.u32 $0xFFFF0000, v6;
	v8 =	vadd.f32 v8, v9  }
0x111: {  	[tilespmem:s8+$0xFFFFFFB0] =	vst v1;
	v1 =	vadd.f32 v6, v3;
	v3 =	vld [tilespmem:s8+$0xFFFFFF50];
	v6 =	vshll.u32 v11, $0x10  }
0x112: {  	v9 =	vld [tilespmem:s9+$0xFFFFFFE0];
	v10 =	vand.u32 $0xFFFF0000, v11;
	v8 =	vmax.f32 v8, $0.0e+00;
	v5 =	vadd.f32 v6, v5  }
0x113: {  	v6 =	vld [tilespmem:s8+$0xFFFFFFC0];
	v4 =	vadd.f32 v10, v4;
	v1 =	vmax.f32 v1, $0.0e+00;
	[tilespmem:s8+$0xC0] =	vst v8  }
0x114: {  	v10 =	vld [tilespmem:s8+$0xFFFFFFD0];
	v8 =	vshll.u32 v7, $0x10;
	[tilespmem:s8+$0xD0] =	vst v1;
	v1 =	vmax.f32 v5, $0.0e+00  }
0x115: {  	v5 =	vand.u32 $0xFFFF0000, v7;
	v2 =	vadd.f32 v8, v2;
	v4 =	vmax.f32 v4, $0.0e+00;
	v7 =	vld [tilespmem:s9+$0x70];
	[tilespmem:s8+$0x20] =	vst v1  }
0x116: {  	v1 =	vld [tilespmem:s8+$0xF0];
	[tilespmem:s8+$0x30] =	vst v4  }
0x117: {  	v3 =	vadd.f32 v5, v3;
	v4 =	vshll.u32 v9, $0x10;
	v2 =	vmax.f32 v2, $0.0e+00;
	v5 =	vld [tilespmem:s9+$0x20]  }
0x118: {  	v8 =	vand.u32 $0xFFFF0000, v9;
	v9 =	vld [tilespmem:s8+$0x40];
	[tilespmem:s8+$0xFFFFFF40] =	vst v2;
	v2 =	vadd.f32 v4, v6  }
0x119: {  	v3 =	vmax.f32 v3, $0.0e+00;
	v4 =	vadd.f32 v8, v10;
	v6 =	vld [tilespmem:s8+$0x50]  }
0x11a: {  	v10 =	vld [tilespmem:s8+$0xFFFFFF70];
	[tilespmem:s8+$0xFFFFFF50] =	vst v3;
	v2 =	vmax.f32 v2, $0.0e+00  }
0x11b: {  	v8 =	vld [tilespmem:s9+$0xFFFFFFB0];
	[tilespmem:s8+$0xFFFFFFC0] =	vst v2;
	v2 =	vmax.f32 v4, $0.0e+00  }
0x11c: {  	v3 =	vld [tilespmem:s8+$0xFFFFFF60];
	v4 =	vand.u32 $0xFFFF0000, v7;
	[tilespmem:s8+$0xFFFFFFD0] =	vst v2  }
0x11d: {  	v2 =	vshll.u32 v5, $0x10;
	v1 =	vadd.f32 v4, v1;
	v11 =	vld [tilespmem:s9+$0xFFFFFFF0]  }
0x11e: {  	v4 =	vand.u32 $0xFFFF0000, v5;
	v2 =	vadd.f32 v2, v9;
	v9 =	vld [tilespmem:s8+$0xFFFFFFE0]  }
0x11f: {  	v5 =	vadd.f32 v4, v6;
	v4 =	vld [tilespmem:s8+$0xFFFFFFF0];
	v1 =	vmax.f32 v1, $0.0e+00  }
0x120: {  	v6 =	vmax.f32 v2, $0.0e+00;
	v2 =	vld [tilespmem:s8+$0x60];
	v12 =	vshll.u32 v8, $0x10;
	[tilespmem:s8+$0xF0] =	vst v1  }
0x121: {  	v5 =	vmax.f32 v5, $0.0e+00;
	[tilespmem:s8+$0x40] =	vst v6;
	v6 =	vand.u32 $0xFFFF0000, v8;
	v12 =	vadd.f32 v12, v3;
	v3 =	vld [tilespmem:s8+$0x70]  }
0x122: {  	v1 =	vshll.u32 v7, $0x10;
	[tilespmem:s8+$0x50] =	vst v5;
	v5 =	vld [tilespmem:s8+$0xE0];
	v7 =	vadd.f32 v6, v10;
	v6 =	vshll.u32 v11, $0x10  }
0x123: {  	s11 =	simm.s32 $0x2A40;
	s24 =	simm.s32 $0x0;
	v8 =	vand.u32 $0xFFFF0000, v11;
	v10 =	vmax.f32 v12, $0.0e+00;
	v9 =	vadd.f32 v6, v9;
	v6 =	vld [tilespmem:s9+$0x30];
	s9 =	simm.s32 $0x66C0  }
.LBB2_7:
0x124: {  	v11 =	vld [tilespmem:s9+$0x40];
	[tilespmem:s8+$0xFFFFFF60] =	vst v10;
	v7 =	vmax.f32 v7, $0.0e+00;
	v4 =	vadd.f32 v8, v4;
	s11 =	sadd.s32 $0x200, s11  }
0x125: {  	v8 =	vld [tilespmem:s11+$0x80];
	[tilespmem:s8+$0xFFFFFF70] =	vst v7;
	v7 =	vmax.f32 v9, $0.0e+00  }
0x126: {  	v9 =	vld [tilespmem:s11+$0x90];
	[tilespmem:s8+$0xFFFFFFE0] =	vst v7;
	v4 =	vmax.f32 v4, $0.0e+00  }
0x127: {  	s24 =	sadd.s32 $0x4, s24;
	v7 =	vld [tilespmem:s9+$0xFFFFFFC0];
	[tilespmem:s8+$0xFFFFFFF0] =	vst v4;
	v1 =	vadd.f32 v1, v5  }
0x128: {  	p0 =	slt.u32 s24, $0x4C;
	v4 =	vld [tilespmem:s9+$0x0];
	v5 =	vshll.u32 v6, $0x10;
	v6 =	vand.u32 $0xFFFF0000, v6  }
0x129: {  	v10 =	vld [tilespmem:s9+$0xFFFFFF80];
	v12 =	vshll.u32 v11, $0x10;
	v2 =	vadd.f32 v5, v2;
	v3 =	vadd.f32 v6, v3  }
0x12a: {  	v6 =	vand.u32 $0xFFFF0000, v11;
	v1 =	vmax.f32 v1, $0.0e+00;
	v5 =	vld [tilespmem:s11+$0xFFFFFF00];
	v8 =	vadd.f32 v12, v8  }
0x12b: {  	v11 =	vld [tilespmem:s11+$0xFFFFFF10];
	v6 =	vadd.f32 v6, v9;
	v2 =	vmax.f32 v2, $0.0e+00;
	v3 =	vmax.f32 v3, $0.0e+00;
	[tilespmem:s8+$0xE0] =	vst v1  }
0x12c: {  	v1 =	vshll.u32 v7, $0x10;
	v7 =	vand.u32 $0xFFFF0000, v7;
	v9 =	vld [tilespmem:s11+$0xFFFFFF80];
	v8 =	vmax.f32 v8, $0.0e+00;
	[tilespmem:s8+$0x60] =	vst v2  }
0x12d: {  	v2 =	vld [tilespmem:s11+$0xFFFFFF90];
	v12 =	vshll.u32 v4, $0x10;
	v4 =	vand.u32 $0xFFFF0000, v4;
	[tilespmem:s11+$0x80] =	vst v8;
	v6 =	vmax.f32 v6, $0.0e+00  }
0x12e: {  	v8 =	vshll.u32 v10, $0x10;
	v10 =	vand.u32 $0xFFFF0000, v10;
	v13 =	vld [tilespmem:s11+$0x0];
	[tilespmem:s11+$0x90] =	vst v6  }
0x12f: {  	v5 =	vadd.f32 v8, v5;
	v6 =	vld [tilespmem:s9+$0x50];
	[tilespmem:s8+$0x70] =	vst v3;
	s8 =	smov.u32 s11  }
0x130: {  	v3 =	vadd.f32 v10, v11;
	v8 =	vld [tilespmem:s11+$0xA0]  }
0x131: {  	v5 =	vmax.f32 v5, $0.0e+00;
	v1 =	vadd.f32 v1, v9;
	v9 =	vld [tilespmem:s11+$0xB0]  }
0x132: {  	[tilespmem:s11+$0xFFFFFF00] =	vst v5;
	v3 =	vmax.f32 v3, $0.0e+00;
	v2 =	vadd.f32 v7, v2;
	v5 =	vld [tilespmem:s11+$0x10]  }
0x133: {  	[tilespmem:s11+$0xFFFFFF10] =	vst v3;
	v3 =	vld [tilespmem:s11+$0xFFFFFF20];
	v1 =	vmax.f32 v1, $0.0e+00;
	v7 =	vadd.f32 v12, v13  }
0x134: {  	v10 =	vld [tilespmem:s9+$0xFFFFFF90];
	[tilespmem:s11+$0xFFFFFF80] =	vst v1;
	v1 =	vmax.f32 v2, $0.0e+00;
	v2 =	vshll.u32 v6, $0x10  }
0x135: {  	v6 =	vand.u32 $0xFFFF0000, v6;
	v11 =	vld [tilespmem:s11+$0xFFFFFF30];
	[tilespmem:s11+$0xFFFFFF90] =	vst v1;
	v1 =	vmax.f32 v7, $0.0e+00;
	v2 =	vadd.f32 v2, v8  }
0x136: {  	v7 =	vld [tilespmem:s9+$0xFFFFFFD0];
	[tilespmem:s11+$0x0] =	vst v1;
	v1 =	vadd.f32 v6, v9  }
0x137: {  	v6 =	vld [tilespmem:s11+$0xFFFFFFA0];
	v4 =	vadd.f32 v4, v5;
	v2 =	vmax.f32 v2, $0.0e+00  }
0x138: {  	v5 =	vld [tilespmem:s11+$0xFFFFFFB0];
	[tilespmem:s11+$0xA0] =	vst v2;
	v1 =	vmax.f32 v1, $0.0e+00  }
0x139: {  	v2 =	vshll.u32 v10, $0x10;
	v8 =	vand.u32 $0xFFFF0000, v10;
	v4 =	vmax.f32 v4, $0.0e+00;
	v9 =	vld [tilespmem:s11+$0x20];
	[tilespmem:s11+$0xB0] =	vst v1  }
0x13a: {  	v1 =	vadd.f32 v2, v3;
	v2 =	vadd.f32 v8, v11;
	[tilespmem:s11+$0x10] =	vst v4;
	v3 =	vld [tilespmem:s9+$0x60]  }
0x13b: {  	v4 =	vshll.u32 v7, $0x10;
	v7 =	vand.u32 $0xFFFF0000, v7;
	v8 =	vld [tilespmem:s11+$0xC0]  }
0x13c: {  	v1 =	vmax.f32 v1, $0.0e+00;
	v2 =	vmax.f32 v2, $0.0e+00;
	v4 =	vadd.f32 v4, v6;
	v6 =	vld [tilespmem:s11+$0xD0]  }
0x13d: {  	[tilespmem:s11+$0xFFFFFF20] =	vst v1;
	v1 =	vadd.f32 v7, v5;
	v5 =	vld [tilespmem:s9+$0x10]  }
0x13e: {  	[tilespmem:s11+$0xFFFFFF30] =	vst v2;
	v2 =	vmax.f32 v4, $0.0e+00;
	v4 =	vld [tilespmem:s11+$0x30]  }
0x13f: {  	v7 =	vld [tilespmem:s9+$0xFFFFFFA0];
	[tilespmem:s11+$0xFFFFFFA0] =	vst v2;
	v1 =	vmax.f32 v1, $0.0e+00;
	v2 =	vshll.u32 v3, $0x10  }
0x140: {  	v10 =	vld [tilespmem:s11+$0xFFFFFF40];
	[tilespmem:s11+$0xFFFFFFB0] =	vst v1;
	v1 =	vand.u32 $0xFFFF0000, v3;
	v2 =	vadd.f32 v2, v8  }
0x141: {  	v3 =	vld [tilespmem:s9+$0xFFFFFFE0];
	v1 =	vadd.f32 v1, v6  }
0x142: {  	v6 =	vld [tilespmem:s11+$0xFFFFFF50];
	v8 =	vshll.u32 v5, $0x10;
	v5 =	vand.u32 $0xFFFF0000, v5;
	v2 =	vmax.f32 v2, $0.0e+00  }
0x143: {  	v11 =	vld [tilespmem:s11+$0xFFFFFFC0];
	v8 =	vadd.f32 v8, v9;
	v4 =	vadd.f32 v5, v4;
	[tilespmem:s11+$0xC0] =	vst v2;
	v1 =	vmax.f32 v1, $0.0e+00  }
0x144: {  	v2 =	vshll.u32 v7, $0x10;
	v5 =	vand.u32 $0xFFFF0000, v7;
	v7 =	vld [tilespmem:s11+$0xFFFFFFD0];
	[tilespmem:s11+$0xD0] =	vst v1  }
0x145: {  	v1 =	vadd.f32 v2, v10;
	v2 =	vmax.f32 v8, $0.0e+00;
	v4 =	vmax.f32 v4, $0.0e+00;
	v8 =	vld [tilespmem:s9+$0x70]  }
0x146: {  	v9 =	vshll.u32 v3, $0x10;
	v3 =	vand.u32 $0xFFFF0000, v3;
	[tilespmem:s11+$0x20] =	vst v2;
	v2 =	vld [tilespmem:s11+$0xF0]  }
0x147: {  	v1 =	vmax.f32 v1, $0.0e+00;
	v5 =	vadd.f32 v5, v6;
	[tilespmem:s11+$0x30] =	vst v4;
	v4 =	vld [tilespmem:s11+$0x40]  }
0x148: {  	[tilespmem:s11+$0xFFFFFF40] =	vst v1;
	v1 =	vadd.f32 v9, v11;
	v6 =	vld [tilespmem:s9+$0x20]  }
0x149: {  	v5 =	vmax.f32 v5, $0.0e+00;
	v3 =	vadd.f32 v3, v7;
	v7 =	vld [tilespmem:s11+$0x50]  }
0x14a: {  	[tilespmem:s11+$0xFFFFFF50] =	vst v5;
	v5 =	vld [tilespmem:s11+$0xFFFFFF60];
	v9 =	vmax.f32 v1, $0.0e+00;
	v1 =	vshll.u32 v8, $0x10;
	v8 =	vand.u32 $0xFFFF0000, v8  }
0x14b: {  	v10 =	vld [tilespmem:s9+$0xFFFFFFB0];
	[tilespmem:s11+$0xFFFFFFC0] =	vst v9;
	v3 =	vmax.f32 v3, $0.0e+00;
	v2 =	vadd.f32 v8, v2  }
0x14c: {  	v8 =	vld [tilespmem:s11+$0xFFFFFF70];
	[tilespmem:s11+$0xFFFFFFD0] =	vst v3  }
0x14d: {  	v9 =	vld [tilespmem:s9+$0xFFFFFFF0];
	v3 =	vshll.u32 v6, $0x10;
	v6 =	vand.u32 $0xFFFF0000, v6;
	v2 =	vmax.f32 v2, $0.0e+00  }
0x14e: {  	v11 =	vld [tilespmem:s11+$0xFFFFFFE0];
	v3 =	vadd.f32 v3, v4;
	v6 =	vadd.f32 v6, v7;
	[tilespmem:s11+$0xF0] =	vst v2  }
.Ltmp2:
0x14f: {  	v4 =	vld [tilespmem:s11+$0xFFFFFFF0];
	(pc) =	sbr.rel @p0 .LBB2_7-.Ltmp2, $4  }
0x150: {  	v7 =	vshll.u32 v10, $0x10;
	v3 =	vmax.f32 v3, $0.0e+00;
	v6 =	vmax.f32 v6, $0.0e+00;
	v2 =	vld [tilespmem:s11+$0x60]  }
0x151: {  	v10 =	vand.u32 $0xFFFF0000, v10;
	v12 =	vadd.f32 v7, v5;
	[tilespmem:s11+$0x40] =	vst v3;
	v3 =	vld [tilespmem:s11+$0x70]  }
0x152: {  	v7 =	vadd.f32 v10, v8;
	v13 =	vshll.u32 v9, $0x10;
	v8 =	vand.u32 $0xFFFF0000, v9;
	[tilespmem:s11+$0x50] =	vst v6;
	v5 =	vld [tilespmem:s11+$0xE0]  }
0x153: {  	v10 =	vmax.f32 v12, $0.0e+00;
	v9 =	vadd.f32 v13, v11;
	v6 =	vld [tilespmem:s9+$0x30];
	s9 =	sadd.s32 $0x100, s9  }
0x154: {  	_ =	sdelay $0x2  }
0x155: {  	[tilespmem:s8+$0xFFFFFF60] =	vst v10;
	v7 =	vmax.f32 v7, $0.0e+00;
	v4 =	vadd.f32 v8, v4  }
0x156: {  	s26 =	sadd.s32 $0x1, s26;
	[tilespmem:s8+$0xFFFFFF70] =	vst v7;
	v61 =	vmax.f32 v9, $0.0e+00;
	v1 =	vadd.f32 v1, v5;
	v62 =	vshll.u32 v6, $0x10  }
0x157: {  	p0 =	sne.s32 s26, $0x3E;
	[tilespmem:s8+$0xFFFFFFE0] =	vst v61;
	v4 =	vmax.f32 v4, $0.0e+00;
	v63 =	vand.u32 $0xFFFF0000, v6;
	v2 =	vadd.f32 v62, v2  }
.Ltmp3:
0x158: {  	[tilespmem:s8+$0xFFFFFFF0] =	vst v4;
	v3 =	vadd.f32 v63, v3;
	v1 =	vmax.f32 v1, $0.0e+00;
	(pc) =	sbr.rel @p0 .LBB2_4-.Ltmp3, $4  }
0x159: {  	[tilespmem:s8+$0xE0] =	vst v1;
	v2 =	vmax.f32 v2, $0.0e+00  }
0x15a: {  	v1 =	vmax.f32 v3, $0.0e+00;
	[tilespmem:s8+$0x60] =	vst v2  }
0x15b: {  	[tilespmem:s8+$0x70] =	vst v1  }
0x15c: {  	[spmem:s4] =	stream.indirect.scatter.add.f32 [tilespmem:s13], [sflag:$0x6], $0x80, s12, s31, $0xb8;
	[tilespmem:$0x1B940] =	vst v63  }
0x15d: {  	_ =	swait.ge [sflag:s10], $0x50  }
0x15e: {  	[sflag:s10] =	ssyncset.done $0x0  }
0x15f: {  	s8 =	simm.s32 $0x6540;
	s25 =	simm.s32 $0x6;
	[sflag:s10] =	ssyncadd.s32 $0xFFFFFFB0  }
0x160: {  	[tilespmem:s8], [sflag:$0x2] =	stream.indirect.gather [hbm4b:s7+s31], $0x40, s31, s31, $0xb8;
	[tilespmem:$0x1B940] =	vst v63  }
0x161: {  	_ =	swait.ge [sflag:s25], $0x2800  }
0x162: {  	[sflag:s25] =	ssyncset.done $0x0  }
0x163: {  	s26 =	rddreg [dreg:$0x15];
	[sflag:s25] =	ssyncadd.s32 $0xFFFFD800  }
0x164: {  	[tilespmem:s12], [sflag:$0xA] =	stream.linear.gather [hbm4b:s26+s6], $0x50, $0x38;
	[tilespmem:$0x1B940] =	vst v63  }
0x165: {  	s28 =	rddreg [dreg:$0x14]  }
0x166: {  	[tilespmem:s13], [sflag:$0x4] =	stream.linear.gather [hbm4b:s28+s6], $0x2800, $0x38;
	[tilespmem:$0x1B940] =	vst v63  }
0x167: {  	_ =	swait.ge [sflag:s14], $0x1400  }
0x168: {  	[sflag:s14] =	ssyncset.done $0x0  }
0x169: {  	[sflag:s14] =	ssyncadd.s32 $0xFFFFEC00  }
0x16a: {  	_ =	swait.ge [sflag:s15], $0x2800  }
0x16b: {  	[sflag:s15] =	ssyncset.done $0x0  }
0x16c: {  	s30 =	rddreg [dreg:$0x16];
	[sflag:s15] =	ssyncadd.s32 $0xFFFFD800  }
0x16d: {  	[tilespmem:s6], [sflag:$0x7] =	stream.linear.gather [hbm4b:s30+s6], $0x50, $0x38;
	[tilespmem:$0x1B940] =	vst v63  }
0x16e: {  	_ =	swait.ge [sflag:s16], $0x50  }
0x16f: {  	[sflag:s16] =	ssyncset.done $0x0  }
0x170: {  	s9 =	simm.s32 $0x51C0;
	[sflag:s16] =	ssyncadd.s32 $0xFFFFFFB0  }
0x171: {  	s8 =	simm.s32 $0x240;
	v1 =	vld [tilespmem:s9+$0x40]  }
0x172: {  	v2 =	vld [tilespmem:s8+$0x80]  }
0x173: {  	v3 =	vld [tilespmem:s8+$0x90]  }
0x174: {  	v4 =	vld [tilespmem:s9+$0xFFFFFFC0]  }
0x175: {  	v5 =	vld [tilespmem:s9+$0xFFFFFF80]  }
0x176: {  	v7 =	vld [tilespmem:s8+$0xFFFFFF00];
	v6 =	vshll.u32 v1, $0x10  }
0x177: {  	v8 =	vld [tilespmem:s9+$0x0];
	v1 =	vand.u32 $0xFFFF0000, v1;
	v2 =	vadd.f32 v6, v2  }
0x178: {  	v6 =	vld [tilespmem:s8+$0xFFFFFF10];
	v1 =	vadd.f32 v1, v3  }
0x179: {  	v3 =	vld [tilespmem:s8+$0xFFFFFF80];
	v2 =	vmax.f32 v2, $0.0e+00  }
0x17a: {  	v9 =	vld [tilespmem:s8+$0xFFFFFF90];
	v1 =	vmax.f32 v1, $0.0e+00;
	[tilespmem:s8+$0x80] =	vst v2  }
0x17b: {  	v10 =	vld [tilespmem:s8+$0x0];
	v2 =	vshll.u32 v5, $0x10;
	[tilespmem:s8+$0x90] =	vst v1  }
0x17c: {  	v5 =	vand.u32 $0xFFFF0000, v5;
	v1 =	vadd.f32 v2, v7;
	v2 =	vld [tilespmem:s9+$0x50]  }
0x17d: {  	v7 =	vld [tilespmem:s8+$0xA0];
	v5 =	vadd.f32 v5, v6;
	v6 =	vshll.u32 v4, $0x10  }
0x17e: {  	v4 =	vand.u32 $0xFFFF0000, v4;
	v1 =	vmax.f32 v1, $0.0e+00;
	v3 =	vadd.f32 v6, v3;
	v6 =	vld [tilespmem:s8+$0xB0]  }
0x17f: {  	v4 =	vadd.f32 v4, v9;
	[tilespmem:s8+$0xFFFFFF00] =	vst v1;
	v1 =	vmax.f32 v5, $0.0e+00  }
0x180: {  	v11 =	vld [tilespmem:s8+$0xFFFFFF30];
	[tilespmem:s8+$0xFFFFFF10] =	vst v1;
	v1 =	vshll.u32 v8, $0x10;
	v3 =	vmax.f32 v3, $0.0e+00  }
0x181: {  	v5 =	vld [tilespmem:s8+$0x10];
	v1 =	vadd.f32 v1, v10;
	[tilespmem:s8+$0xFFFFFF80] =	vst v3;
	v3 =	vmax.f32 v4, $0.0e+00;
	v4 =	vshll.u32 v2, $0x10  }
0x182: {  	v10 =	vld [tilespmem:s9+$0xFFFFFF90];
	v2 =	vand.u32 $0xFFFF0000, v2;
	[tilespmem:s8+$0xFFFFFF90] =	vst v3;
	v3 =	vadd.f32 v4, v7  }
0x183: {  	v9 =	vld [tilespmem:s8+$0xFFFFFF20];
	v1 =	vmax.f32 v1, $0.0e+00;
	v2 =	vadd.f32 v2, v6  }
0x184: {  	v7 =	vld [tilespmem:s8+$0xFFFFFFB0];
	[tilespmem:s8+$0x0] =	vst v1;
	v3 =	vmax.f32 v3, $0.0e+00  }
0x185: {  	v4 =	vld [tilespmem:s9+$0xFFFFFFD0];
	v6 =	vand.u32 $0xFFFF0000, v8;
	[tilespmem:s8+$0xA0] =	vst v3;
	v2 =	vmax.f32 v2, $0.0e+00  }
0x186: {  	v1 =	vld [tilespmem:s8+$0xFFFFFFA0];
	v3 =	vadd.f32 v6, v5;
	[tilespmem:s8+$0xB0] =	vst v2  }
0x187: {  	v2 =	vshll.u32 v10, $0x10;
	v6 =	vld [tilespmem:s9+$0x60]  }
0x188: {  	v8 =	vand.u32 $0xFFFF0000, v10;
	v3 =	vmax.f32 v3, $0.0e+00;
	v2 =	vadd.f32 v2, v9;
	v9 =	vld [tilespmem:s8+$0xC0]  }
0x189: {  	v8 =	vadd.f32 v8, v11;
	[tilespmem:s8+$0x10] =	vst v3;
	v3 =	vld [tilespmem:s8+$0xD0]  }
0x18a: {  	v10 =	vshll.u32 v4, $0x10;
	v2 =	vmax.f32 v2, $0.0e+00;
	v11 =	vld [tilespmem:s9+$0x10]  }
0x18b: {  	v5 =	vld [tilespmem:s8+$0x20];
	v4 =	vand.u32 $0xFFFF0000, v4;
	v8 =	vmax.f32 v8, $0.0e+00;
	v1 =	vadd.f32 v10, v1;
	[tilespmem:s8+$0xFFFFFF20] =	vst v2  }
0x18c: {  	v2 =	vadd.f32 v4, v7;
	[tilespmem:s8+$0xFFFFFF30] =	vst v8;
	v4 =	vld [tilespmem:s8+$0x30]  }
0x18d: {  	v1 =	vmax.f32 v1, $0.0e+00;
	v7 =	vld [tilespmem:s9+$0xFFFFFFA0];
	v8 =	vshll.u32 v6, $0x10  }
0x18e: {  	[tilespmem:s8+$0xFFFFFFA0] =	vst v1;
	v1 =	vmax.f32 v2, $0.0e+00;
	v2 =	vld [tilespmem:s8+$0xFFFFFF40];
	v6 =	vand.u32 $0xFFFF0000, v6;
	v8 =	vadd.f32 v8, v9  }
0x18f: {  	[tilespmem:s8+$0xFFFFFFB0] =	vst v1;
	v1 =	vadd.f32 v6, v3;
	v3 =	vld [tilespmem:s8+$0xFFFFFF50];
	v6 =	vshll.u32 v11, $0x10  }
0x190: {  	v9 =	vld [tilespmem:s9+$0xFFFFFFE0];
	v10 =	vand.u32 $0xFFFF0000, v11;
	v8 =	vmax.f32 v8, $0.0e+00;
	v5 =	vadd.f32 v6, v5  }
0x191: {  	v6 =	vld [tilespmem:s8+$0xFFFFFFC0];
	v4 =	vadd.f32 v10, v4;
	v1 =	vmax.f32 v1, $0.0e+00;
	[tilespmem:s8+$0xC0] =	vst v8  }
0x192: {  	v10 =	vld [tilespmem:s8+$0xFFFFFFD0];
	v8 =	vshll.u32 v7, $0x10;
	[tilespmem:s8+$0xD0] =	vst v1;
	v1 =	vmax.f32 v5, $0.0e+00  }
0x193: {  	v5 =	vand.u32 $0xFFFF0000, v7;
	v2 =	vadd.f32 v8, v2;
	v4 =	vmax.f32 v4, $0.0e+00;
	v7 =	vld [tilespmem:s9+$0x70];
	[tilespmem:s8+$0x20] =	vst v1  }
0x194: {  	v1 =	vld [tilespmem:s8+$0xF0];
	[tilespmem:s8+$0x30] =	vst v4  }
0x195: {  	v3 =	vadd.f32 v5, v3;
	v4 =	vshll.u32 v9, $0x10;
	v2 =	vmax.f32 v2, $0.0e+00;
	v5 =	vld [tilespmem:s9+$0x20]  }
0x196: {  	v8 =	vand.u32 $0xFFFF0000, v9;
	v9 =	vld [tilespmem:s8+$0x40];
	[tilespmem:s8+$0xFFFFFF40] =	vst v2;
	v2 =	vadd.f32 v4, v6  }
0x197: {  	v3 =	vmax.f32 v3, $0.0e+00;
	v4 =	vadd.f32 v8, v10;
	v6 =	vld [tilespmem:s8+$0x50]  }
0x198: {  	v10 =	vld [tilespmem:s8+$0xFFFFFF70];
	[tilespmem:s8+$0xFFFFFF50] =	vst v3;
	v2 =	vmax.f32 v2, $0.0e+00  }
0x199: {  	v8 =	vld [tilespmem:s9+$0xFFFFFFB0];
	[tilespmem:s8+$0xFFFFFFC0] =	vst v2;
	v2 =	vmax.f32 v4, $0.0e+00  }
0x19a: {  	v3 =	vld [tilespmem:s8+$0xFFFFFF60];
	v4 =	vand.u32 $0xFFFF0000, v7;
	[tilespmem:s8+$0xFFFFFFD0] =	vst v2  }
0x19b: {  	v2 =	vshll.u32 v5, $0x10;
	v1 =	vadd.f32 v4, v1;
	v11 =	vld [tilespmem:s9+$0xFFFFFFF0]  }
0x19c: {  	v4 =	vand.u32 $0xFFFF0000, v5;
	v2 =	vadd.f32 v2, v9;
	v9 =	vld [tilespmem:s8+$0xFFFFFFE0]  }
0x19d: {  	v5 =	vadd.f32 v4, v6;
	v4 =	vld [tilespmem:s8+$0xFFFFFFF0];
	v1 =	vmax.f32 v1, $0.0e+00  }
0x19e: {  	v6 =	vmax.f32 v2, $0.0e+00;
	v2 =	vld [tilespmem:s8+$0x60];
	v12 =	vshll.u32 v8, $0x10;
	[tilespmem:s8+$0xF0] =	vst v1  }
0x19f: {  	v5 =	vmax.f32 v5, $0.0e+00;
	[tilespmem:s8+$0x40] =	vst v6;
	v6 =	vand.u32 $0xFFFF0000, v8;
	v12 =	vadd.f32 v12, v3;
	v3 =	vld [tilespmem:s8+$0x70]  }
0x1a0: {  	v1 =	vshll.u32 v7, $0x10;
	[tilespmem:s8+$0x50] =	vst v5;
	v5 =	vld [tilespmem:s8+$0xE0];
	v7 =	vadd.f32 v6, v10;
	v6 =	vshll.u32 v11, $0x10  }
0x1a1: {  	s24 =	simm.s32 $0x0;
	s11 =	simm.s32 $0x240;
	v8 =	vand.u32 $0xFFFF0000, v11;
	v10 =	vmax.f32 v12, $0.0e+00;
	v9 =	vadd.f32 v6, v9;
	v6 =	vld [tilespmem:s9+$0x30];
	s9 =	simm.s32 $0x52C0  }
.LBB2_10:
0x1a2: {  	v11 =	vld [tilespmem:s9+$0x40];
	[tilespmem:s8+$0xFFFFFF60] =	vst v10;
	v7 =	vmax.f32 v7, $0.0e+00;
	v4 =	vadd.f32 v8, v4;
	s11 =	sadd.s32 $0x200, s11  }
0x1a3: {  	v8 =	vld [tilespmem:s11+$0x80];
	[tilespmem:s8+$0xFFFFFF70] =	vst v7;
	v7 =	vmax.f32 v9, $0.0e+00  }
0x1a4: {  	v9 =	vld [tilespmem:s11+$0x90];
	[tilespmem:s8+$0xFFFFFFE0] =	vst v7;
	v4 =	vmax.f32 v4, $0.0e+00  }
0x1a5: {  	s24 =	sadd.s32 $0x4, s24;
	v7 =	vld [tilespmem:s9+$0xFFFFFFC0];
	[tilespmem:s8+$0xFFFFFFF0] =	vst v4;
	v1 =	vadd.f32 v1, v5  }
0x1a6: {  	p0 =	slt.u32 s24, $0x4C;
	v4 =	vld [tilespmem:s9+$0x0];
	v5 =	vshll.u32 v6, $0x10;
	v6 =	vand.u32 $0xFFFF0000, v6  }
0x1a7: {  	v10 =	vld [tilespmem:s9+$0xFFFFFF80];
	v12 =	vshll.u32 v11, $0x10;
	v2 =	vadd.f32 v5, v2;
	v3 =	vadd.f32 v6, v3  }
0x1a8: {  	v6 =	vand.u32 $0xFFFF0000, v11;
	v1 =	vmax.f32 v1, $0.0e+00;
	v5 =	vld [tilespmem:s11+$0xFFFFFF00];
	v8 =	vadd.f32 v12, v8  }
0x1a9: {  	v11 =	vld [tilespmem:s11+$0xFFFFFF10];
	v6 =	vadd.f32 v6, v9;
	v2 =	vmax.f32 v2, $0.0e+00;
	v3 =	vmax.f32 v3, $0.0e+00;
	[tilespmem:s8+$0xE0] =	vst v1  }
0x1aa: {  	v1 =	vshll.u32 v7, $0x10;
	v7 =	vand.u32 $0xFFFF0000, v7;
	v9 =	vld [tilespmem:s11+$0xFFFFFF80];
	v8 =	vmax.f32 v8, $0.0e+00;
	[tilespmem:s8+$0x60] =	vst v2  }
0x1ab: {  	v2 =	vld [tilespmem:s11+$0xFFFFFF90];
	v12 =	vshll.u32 v4, $0x10;
	v4 =	vand.u32 $0xFFFF0000, v4;
	[tilespmem:s11+$0x80] =	vst v8;
	v6 =	vmax.f32 v6, $0.0e+00  }
0x1ac: {  	v8 =	vshll.u32 v10, $0x10;
	v10 =	vand.u32 $0xFFFF0000, v10;
	v13 =	vld [tilespmem:s11+$0x0];
	[tilespmem:s11+$0x90] =	vst v6  }
0x1ad: {  	v5 =	vadd.f32 v8, v5;
	v6 =	vld [tilespmem:s9+$0x50];
	[tilespmem:s8+$0x70] =	vst v3;
	s8 =	smov.u32 s11  }
0x1ae: {  	v3 =	vadd.f32 v10, v11;
	v8 =	vld [tilespmem:s11+$0xA0]  }
0x1af: {  	v5 =	vmax.f32 v5, $0.0e+00;
	v1 =	vadd.f32 v1, v9;
	v9 =	vld [tilespmem:s11+$0xB0]  }
0x1b0: {  	[tilespmem:s11+$0xFFFFFF00] =	vst v5;
	v3 =	vmax.f32 v3, $0.0e+00;
	v2 =	vadd.f32 v7, v2;
	v5 =	vld [tilespmem:s11+$0x10]  }
0x1b1: {  	[tilespmem:s11+$0xFFFFFF10] =	vst v3;
	v3 =	vld [tilespmem:s11+$0xFFFFFF20];
	v1 =	vmax.f32 v1, $0.0e+00;
	v7 =	vadd.f32 v12, v13  }
0x1b2: {  	v10 =	vld [tilespmem:s9+$0xFFFFFF90];
	[tilespmem:s11+$0xFFFFFF80] =	vst v1;
	v1 =	vmax.f32 v2, $0.0e+00;
	v2 =	vshll.u32 v6, $0x10  }
0x1b3: {  	v6 =	vand.u32 $0xFFFF0000, v6;
	v11 =	vld [tilespmem:s11+$0xFFFFFF30];
	[tilespmem:s11+$0xFFFFFF90] =	vst v1;
	v1 =	vmax.f32 v7, $0.0e+00;
	v2 =	vadd.f32 v2, v8  }
0x1b4: {  	v7 =	vld [tilespmem:s9+$0xFFFFFFD0];
	[tilespmem:s11+$0x0] =	vst v1;
	v1 =	vadd.f32 v6, v9  }
0x1b5: {  	v6 =	vld [tilespmem:s11+$0xFFFFFFA0];
	v4 =	vadd.f32 v4, v5;
	v2 =	vmax.f32 v2, $0.0e+00  }
0x1b6: {  	v5 =	vld [tilespmem:s11+$0xFFFFFFB0];
	[tilespmem:s11+$0xA0] =	vst v2;
	v1 =	vmax.f32 v1, $0.0e+00  }
0x1b7: {  	v2 =	vshll.u32 v10, $0x10;
	v8 =	vand.u32 $0xFFFF0000, v10;
	v4 =	vmax.f32 v4, $0.0e+00;
	v9 =	vld [tilespmem:s11+$0x20];
	[tilespmem:s11+$0xB0] =	vst v1  }
0x1b8: {  	v1 =	vadd.f32 v2, v3;
	v2 =	vadd.f32 v8, v11;
	[tilespmem:s11+$0x10] =	vst v4;
	v3 =	vld [tilespmem:s9+$0x60]  }
0x1b9: {  	v4 =	vshll.u32 v7, $0x10;
	v7 =	vand.u32 $0xFFFF0000, v7;
	v8 =	vld [tilespmem:s11+$0xC0]  }
0x1ba: {  	v1 =	vmax.f32 v1, $0.0e+00;
	v2 =	vmax.f32 v2, $0.0e+00;
	v4 =	vadd.f32 v4, v6;
	v6 =	vld [tilespmem:s11+$0xD0]  }
0x1bb: {  	[tilespmem:s11+$0xFFFFFF20] =	vst v1;
	v1 =	vadd.f32 v7, v5;
	v5 =	vld [tilespmem:s9+$0x10]  }
0x1bc: {  	[tilespmem:s11+$0xFFFFFF30] =	vst v2;
	v2 =	vmax.f32 v4, $0.0e+00;
	v4 =	vld [tilespmem:s11+$0x30]  }
0x1bd: {  	v7 =	vld [tilespmem:s9+$0xFFFFFFA0];
	[tilespmem:s11+$0xFFFFFFA0] =	vst v2;
	v1 =	vmax.f32 v1, $0.0e+00;
	v2 =	vshll.u32 v3, $0x10  }
0x1be: {  	v10 =	vld [tilespmem:s11+$0xFFFFFF40];
	[tilespmem:s11+$0xFFFFFFB0] =	vst v1;
	v1 =	vand.u32 $0xFFFF0000, v3;
	v2 =	vadd.f32 v2, v8  }
0x1bf: {  	v3 =	vld [tilespmem:s9+$0xFFFFFFE0];
	v1 =	vadd.f32 v1, v6  }
0x1c0: {  	v6 =	vld [tilespmem:s11+$0xFFFFFF50];
	v8 =	vshll.u32 v5, $0x10;
	v5 =	vand.u32 $0xFFFF0000, v5;
	v2 =	vmax.f32 v2, $0.0e+00  }
0x1c1: {  	v11 =	vld [tilespmem:s11+$0xFFFFFFC0];
	v8 =	vadd.f32 v8, v9;
	v4 =	vadd.f32 v5, v4;
	[tilespmem:s11+$0xC0] =	vst v2;
	v1 =	vmax.f32 v1, $0.0e+00  }
0x1c2: {  	v2 =	vshll.u32 v7, $0x10;
	v5 =	vand.u32 $0xFFFF0000, v7;
	v7 =	vld [tilespmem:s11+$0xFFFFFFD0];
	[tilespmem:s11+$0xD0] =	vst v1  }
0x1c3: {  	v1 =	vadd.f32 v2, v10;
	v2 =	vmax.f32 v8, $0.0e+00;
	v4 =	vmax.f32 v4, $0.0e+00;
	v8 =	vld [tilespmem:s9+$0x70]  }
0x1c4: {  	v9 =	vshll.u32 v3, $0x10;
	v3 =	vand.u32 $0xFFFF0000, v3;
	[tilespmem:s11+$0x20] =	vst v2;
	v2 =	vld [tilespmem:s11+$0xF0]  }
0x1c5: {  	v1 =	vmax.f32 v1, $0.0e+00;
	v5 =	vadd.f32 v5, v6;
	[tilespmem:s11+$0x30] =	vst v4;
	v4 =	vld [tilespmem:s11+$0x40]  }
0x1c6: {  	[tilespmem:s11+$0xFFFFFF40] =	vst v1;
	v1 =	vadd.f32 v9, v11;
	v6 =	vld [tilespmem:s9+$0x20]  }
0x1c7: {  	v5 =	vmax.f32 v5, $0.0e+00;
	v3 =	vadd.f32 v3, v7;
	v7 =	vld [tilespmem:s11+$0x50]  }
0x1c8: {  	[tilespmem:s11+$0xFFFFFF50] =	vst v5;
	v5 =	vld [tilespmem:s11+$0xFFFFFF60];
	v9 =	vmax.f32 v1, $0.0e+00;
	v1 =	vshll.u32 v8, $0x10;
	v8 =	vand.u32 $0xFFFF0000, v8  }
0x1c9: {  	v10 =	vld [tilespmem:s9+$0xFFFFFFB0];
	[tilespmem:s11+$0xFFFFFFC0] =	vst v9;
	v3 =	vmax.f32 v3, $0.0e+00;
	v2 =	vadd.f32 v8, v2  }
0x1ca: {  	v8 =	vld [tilespmem:s11+$0xFFFFFF70];
	[tilespmem:s11+$0xFFFFFFD0] =	vst v3  }
0x1cb: {  	v9 =	vld [tilespmem:s9+$0xFFFFFFF0];
	v3 =	vshll.u32 v6, $0x10;
	v6 =	vand.u32 $0xFFFF0000, v6;
	v2 =	vmax.f32 v2, $0.0e+00  }
0x1cc: {  	v11 =	vld [tilespmem:s11+$0xFFFFFFE0];
	v3 =	vadd.f32 v3, v4;
	v6 =	vadd.f32 v6, v7;
	[tilespmem:s11+$0xF0] =	vst v2  }
.Ltmp4:
0x1cd: {  	v4 =	vld [tilespmem:s11+$0xFFFFFFF0];
	(pc) =	sbr.rel @p0 .LBB2_10-.Ltmp4, $4  }
0x1ce: {  	v7 =	vshll.u32 v10, $0x10;
	v3 =	vmax.f32 v3, $0.0e+00;
	v6 =	vmax.f32 v6, $0.0e+00;
	v2 =	vld [tilespmem:s11+$0x60]  }
0x1cf: {  	v10 =	vand.u32 $0xFFFF0000, v10;
	v12 =	vadd.f32 v7, v5;
	[tilespmem:s11+$0x40] =	vst v3;
	v3 =	vld [tilespmem:s11+$0x70]  }
0x1d0: {  	v7 =	vadd.f32 v10, v8;
	v13 =	vshll.u32 v9, $0x10;
	v8 =	vand.u32 $0xFFFF0000, v9;
	[tilespmem:s11+$0x50] =	vst v6;
	v5 =	vld [tilespmem:s11+$0xE0]  }
0x1d1: {  	v10 =	vmax.f32 v12, $0.0e+00;
	v9 =	vadd.f32 v13, v11;
	v6 =	vld [tilespmem:s9+$0x30];
	s9 =	sadd.s32 $0x100, s9  }
0x1d2: {  	_ =	sdelay $0x2  }
0x1d3: {  	[tilespmem:s8+$0xFFFFFF60] =	vst v10;
	v7 =	vmax.f32 v7, $0.0e+00;
	v4 =	vadd.f32 v8, v4  }
0x1d4: {  	[tilespmem:s8+$0xFFFFFF70] =	vst v7;
	v61 =	vmax.f32 v9, $0.0e+00;
	v1 =	vadd.f32 v1, v5;
	v62 =	vshll.u32 v6, $0x10  }
0x1d5: {  	[tilespmem:s8+$0xFFFFFFE0] =	vst v61;
	v4 =	vmax.f32 v4, $0.0e+00;
	v63 =	vand.u32 $0xFFFF0000, v6;
	v2 =	vadd.f32 v62, v2  }
0x1d6: {  	[tilespmem:s8+$0xFFFFFFF0] =	vst v4;
	v3 =	vadd.f32 v63, v3;
	v1 =	vmax.f32 v1, $0.0e+00  }
0x1d7: {  	[tilespmem:s8+$0xE0] =	vst v1;
	v2 =	vmax.f32 v2, $0.0e+00  }
0x1d8: {  	v1 =	vmax.f32 v3, $0.0e+00;
	[tilespmem:s8+$0x60] =	vst v2  }
0x1d9: {  	[tilespmem:s8+$0x70] =	vst v1  }
0x1da: {  	[spmem:s4] =	stream.indirect.scatter.add.f32 [tilespmem:s29], [sflag:$0x5], $0x80, s0, s31, $0xb8;
	[tilespmem:$0x1B940] =	vst v63  }
0x1db: {  	_ =	swait.ge [sflag:s18], $0x2800  }
0x1dc: {  	[sflag:s18] =	ssyncset.done $0x0  }
0x1dd: {  	[sflag:s18] =	ssyncadd.s32 $0xFFFFD800  }
0x1de: {  	_ =	swait.ge [sflag:s19], $0x1400  }
0x1df: {  	[sflag:s19] =	ssyncset.done $0x0  }
0x1e0: {  	[sflag:s19] =	ssyncadd.s32 $0xFFFFEC00  }
0x1e1: {  	_ =	swait.ge [sflag:s20], $0x2800  }
0x1e2: {  	[sflag:s20] =	ssyncset.done $0x0  }
0x1e3: {  	[sflag:s20] =	ssyncadd.s32 $0xFFFFD800  }
0x1e4: {  	_ =	swait.ge [sflag:s5], $0x50  }
0x1e5: {  	[sflag:s5] =	ssyncset.done $0x0  }
0x1e6: {  	[sflag:s5] =	ssyncadd.s32 $0xFFFFFFB0  }
0x1e7: {  	_ =	swait.ge [sflag:s21], $0x50  }
0x1e8: {  	[sflag:s21] =	ssyncset.done $0x0  }
0x1e9: {  	[sflag:s21] =	ssyncadd.s32 $0xFFFFFFB0  }
0x1ea: {  	s26 =	stileid.u32;
	[bflag:$0x0] =	sbarrier.arrive $0xFFFF  }
0x1eb: {  	s8 =	sshll.u32 s26, $0x6;
	s24 =	rddreg [dreg:$0x7]  }
0x1ec: {  	s8 =	sor.u32 $0x1C0B, s8;
	s11 =	rddreg [dreg:$0x13];
	s9 =	sshrl.u32 s24, $0x3  }
0x1ed: {  	[hbm:s11], [sflag:s8] =	dma.local [spmem:s9], $0x2800  }
0x1ee: {  	s11 =	simm.s32 $0xB  }
0x1ef: {  	_ =	swait.ge [sflag:s11], $0x2800  }
0x1f0: {  	s28 =	rddreg [dreg:$0x18]  }
0x1f1: {  	s30 =	rddreg [dreg:$0x17];
	s9 =	sadd.s32 $0x1, s28  }
0x1f2: {  	p0 =	sne.s32 s9, s30  }
.Ltmp5:
0x1f3: {  	_ = 	snop;
	(pc) =	sbr.rel @p0 .LBB2_1-.Ltmp5, $3  }
0x1f4: {  	_ =	sdelay $0x1  }
0x1f5: {  	[sflag:s11] =	ssyncset.done $0x0  }
0x1f6: {  	[sflag:s11] =	ssyncadd.s32 $0xFFFFD800  }
0x1f7: {  	_ =	sfence.sel $0x180000  }
0x1f8: {  	[bflag:$0x0] =	sbarrier.arrive $0xFFFF  }
0x1f9: {  	_ =	strace $0x90000047  }
0x1fa: {  	s0 =	stileid.u32;
	[bflag:$0x2] =	sbarrier.arrive $0xFFFF  }
0x1fb: {  	p0 =	sne.s32 s0, $0x0;
	s0 =	rddreg [dreg:$0x6]  }
0x1fc: {  	s0 =	sadd.s32 @!p0 $0x100000, s0  }
0x1fd: {  	[sflag:s0] =	ssyncadd.tile.s32 @!p0 $0x1;
	_ =	shalt  }
.Lfunc_end2:
_tile_overlayer_lowered:
.L_overlay_start_2:
0x1fe: {  	(tag) =	ssettag $0x2  }
0x1ff: {  	s0 =	rddreg [dreg:$0x0];
	s2 =	stileid.u32  }
0x200: {  	s1 =	rddreg [dreg:$0x1];
	p0 =	sne.s32 s2, $0x0  }
0x201: {  	s3 =	rddreg [dreg:$0x2];
	[bflag:$0x3] =	sbarrier.arrive $0xFFFF;
	s2 =	simm.s32 @!p0 $0x1C0B  }
0x202: {  	[timem:s3], [sflag:s2] =	dma.local @!p0 [hbm:s0], s1  }
0x203: {  	s0 =	simm.s32 @!p0 $0xB  }
0x204: {  	_ =	swait.ge @!p0 [sflag:s0], s1  }
0x205: {  	s1 =	ssub.s32 @!p0 $0x0, s1;
	[sflag:s0] =	ssyncset.done @!p0 $0x0  }
0x206: {  	[sflag:s0] =	ssyncadd.s32 @!p0 s1  }
0x207: {  	[bflag:$0x3] =	sbarrier.arrive $0xFFFF  }
0x208: {  	_ =	shalt  }

</sc_bundles>
